<compile_context>
chip_gen: v7x
topology: tpu7x:2x2x1
jax: 0.10.2.dev20260603
libtpu: 0.0.44.dev20260713+nightly
codegen_flags: <defaults>
</compile_context>

<pallas_src>
import functools

import jax
import jax.numpy as jnp
from jax import lax
from jax.experimental import pallas as pl
from jax.experimental.pallas import tpu as pltpu
from jax.experimental.pallas import tpu_sc as plsc

_BINS = 10
_ALPHA = 0.75
_N = 4000000
_L = 16
_NC = 2
_NS = 16
_NW = _NC * _NS
_CHUNK = 8000
_NCHUNKS = _N // _CHUNK
_VPC = _CHUNK // _L
_U = 8
_BASE_CH = _NCHUNKS // _NW
_EXTRA = _NCHUNKS - _BASE_CH * _NW
_ACC = _BINS * _L

_mesh = plsc.VectorSubcoreMesh(core_axis_name="c", subcore_axis_name="s")


@functools.partial(
    pl.kernel,
    out_type=(
        jax.ShapeDtypeStruct((_NW * _ACC,), jnp.float32),
        jax.ShapeDtypeStruct((_NW * _ACC,), jnp.float32),
    ),
    mesh=_mesh,
    scratch_types=[
        pltpu.VMEM((2 * _CHUNK,), jnp.float32),
        pltpu.VMEM((2 * _CHUNK,), jnp.float32),
        pltpu.VMEM((2 * _CHUNK,), jnp.int32),
        pltpu.VMEM((_ACC,), jnp.float32),
        pltpu.VMEM((_ACC,), jnp.float32),
        pltpu.SemaphoreType.DMA,
        pltpu.SemaphoreType.DMA,
    ],
    compiler_params=pltpu.CompilerParams(needs_layout_passes=False),
)
def _sc_hist(x1h, x2h, th, cnt_out, sum_out, x1b, x2b, tb, cacc, sacc, sem0, sem1):
    wid = lax.axis_index("s") * _NC + lax.axis_index("c")
    nmine = _BASE_CH + jnp.where(wid < _EXTRA, 1, 0)
    first = wid * _BASE_CH + jnp.minimum(wid, _EXTRA)

    zeros = jnp.zeros((_L,), jnp.float32)
    for b in range(_BINS):
        cacc[pl.ds(b * _L, _L)] = zeros
        sacc[pl.ds(b * _L, _L)] = zeros

    lanes = lax.iota(jnp.int32, _L)
    ones = jnp.ones((_L,), jnp.float32)

    def _sem(slot):
        return lax.cond(slot == 0, lambda: 0, lambda: 1)

    def start_load(slot, ci, sem):
        base = ci * _CHUNK
        dst = slot * _CHUNK
        pltpu.async_copy(x1h.at[pl.ds(base, _CHUNK)], x1b.at[pl.ds(dst, _CHUNK)], sem)
        pltpu.async_copy(x2h.at[pl.ds(base, _CHUNK)], x2b.at[pl.ds(dst, _CHUNK)], sem)
        pltpu.async_copy(th.at[pl.ds(base, _CHUNK)], tb.at[pl.ds(dst, _CHUNK)], sem)

    def wait_loads(slot, sem):
        dst = slot * _CHUNK
        pltpu.make_async_copy(x1h.at[pl.ds(0, _CHUNK)], x1b.at[pl.ds(dst, _CHUNK)], sem).wait()
        pltpu.make_async_copy(x2h.at[pl.ds(0, _CHUNK)], x2b.at[pl.ds(dst, _CHUNK)], sem).wait()
        pltpu.make_async_copy(th.at[pl.ds(0, _CHUNK)], tb.at[pl.ds(dst, _CHUNK)], sem).wait()

    start_load(0, first, sem0)

    def chunk_body(j, carry):
        slot = lax.rem(j, 2)

        @pl.when(j + 1 < nmine)
        def _():
            @pl.when(slot == 0)
            def _():
                start_load(1, first + j + 1, sem1)

            @pl.when(slot == 1)
            def _():
                start_load(0, first + j + 1, sem0)

        @pl.when(slot == 0)
        def _():
            wait_loads(0, sem0)

        @pl.when(slot == 1)
        def _():
            wait_loads(1, sem1)

        sbase = slot * _CHUNK

        @plsc.parallel_loop(0, _VPC, 1, unroll=_U)
        def vec_body(v):
            o2 = sbase + v * _L
            x1 = x1b[pl.ds(o2, _L)]
            x2 = x2b[pl.ds(o2, _L)]
            tf = tb[pl.ds(o2, _L)].astype(jnp.float32)
            diff = x1 - x2
            loss = tf * jnp.maximum(-diff, 0.0)
            e = jnp.exp(diff * (2.0 * tf - 1.0))
            g10 = 10.0 / (1.0 + e)
            bi = jnp.minimum(g10.astype(jnp.int32), _BINS - 1)
            pos = bi * _L + lanes
            plsc.addupdate_scatter(sacc, [pos], loss)
            plsc.addupdate_scatter(cacc, [pos], ones, mask=g10 < 10.0)

        return carry

    lax.fori_loop(0, nmine, chunk_body, 0)

    col = wid * _ACC
    pltpu.sync_copy(cacc, cnt_out.at[pl.ds(col, _ACC)])
    pltpu.sync_copy(sacc, sum_out.at[pl.ds(col, _ACC)])


def _fin_body(cnt_ref, sum_ref, out_ref):
    tot = jnp.sum(cnt_ref[...], axis=(0, 2))
    lsum = jnp.sum(sum_ref[...], axis=(0, 2))
    tot = jnp.maximum(tot, 1.0)
    w = jnp.exp(jnp.log(tot) * (-_ALPHA))
    res = jnp.sum(w * lsum) * (1.0 / _N)
    out_ref[...] = jnp.reshape(res, (1, 1))


_finish = pl.pallas_call(
    _fin_body,
    out_shape=jax.ShapeDtypeStruct((1, 1), jnp.float32),
)


@jax.jit
def kernel(output1, output2, target):
    cnt, lsum = _sc_hist(output1, output2, target)
    cnt = cnt.reshape(_NW, _BINS, _L)
    lsum = lsum.reshape(_NW, _BINS, _L)
    return _finish(cnt, lsum)[0, 0]

# --- scband reference (transcript-rebuilt; emitter-appended) ---
"""Pipeline reference for scband-ghmranking-loss-16183436771680 (READ-ONLY COPY).

The authoritative reference and input builder live on the scoring server;
editing this copy changes nothing except your own understanding.
"""

import jax, jax.numpy as jnp
import numpy as np

MARGIN = 0.0
BINS = 10
ALPHA = 0.75
N = 4000000


def setup_inputs(seed: int = 0) -> dict:
    key = jax.random.key(seed)
    k1, k2, k3 = jax.random.split(key, 3)
    output1 = jax.random.normal(k1, (N,), dtype=jnp.float32)
    output2 = jax.random.normal(k2, (N,), dtype=jnp.float32)
    target = jax.random.randint(k3, (N,), 0, 2, dtype=jnp.int32)
    return {"output1": output1, "output2": output2, "target": target}


def reference(output1, output2, target):
    target_f = target.astype(jnp.float32)
    # MarginRankingLoss with reduction='none': max(0, -target*(x1-x2) + margin)
    loss = jnp.maximum(-target_f * (output1 - output2) + MARGIN, 0.0)
    diff = output1 - output2
    expected_sign = 2.0 * target_f - 1.0
    g = jax.nn.sigmoid(-diff * expected_sign + MARGIN)
    # histogram of |g| over BINS equal-width bins on [0, 1]
    edges = jnp.arange(0, BINS + 1, dtype=jnp.float32) / BINS
    g_norm = jnp.abs(g)
    tot = jnp.stack([
        jnp.sum(((g_norm >= edges[i]) & (g_norm < edges[i + 1])).astype(jnp.float32))
        for i in range(BINS)
    ])
    tot = jnp.clip(tot, 1.0, None)
    w = tot ** (-ALPHA)
    bin_idx = jnp.clip(jnp.floor(g * BINS).astype(jnp.int32), 0, BINS - 1)
    sample_weights = w[bin_idx]
    weighted_loss = loss * sample_weights
    return jnp.mean(weighted_loss)

if __name__ == "__main__":
    import jax
    _d = setup_inputs()
    print(jax.jit(kernel)(*tuple(_d.values())))

</pallas_src>

<mosaic_0001>
#map = affine_map<(d0, d1) -> (0)>
module attributes {stable_mosaic.version = 14 : i64} {
  func.func @_sc_hist(%arg0: i32, %arg1: i32, %arg2: memref<4000000xf32, #tpu.memory_space<hbm>>, %arg3: memref<4000000xf32, #tpu.memory_space<hbm>>, %arg4: memref<4000000xi32, #tpu.memory_space<hbm>>, %arg5: memref<5120xf32, #tpu.memory_space<hbm>>, %arg6: memref<5120xf32, #tpu.memory_space<hbm>>, %arg7: memref<16000xf32, #tpu.memory_space<vmem>>, %arg8: memref<16000xf32, #tpu.memory_space<vmem>>, %arg9: memref<16000xi32, #tpu.memory_space<vmem>>, %arg10: memref<160xf32, #tpu.memory_space<vmem>>, %arg11: memref<160xf32, #tpu.memory_space<vmem>>, %arg12: memref<!tpu.dma_semaphore, #tpu.memory_space<semaphore_mem>>, %arg13: memref<!tpu.dma_semaphore, #tpu.memory_space<semaphore_mem>>) attributes {dimension_semantics = [#tpu.dimension_semantics<core_parallel>, #tpu.dimension_semantics<subcore_parallel>], iteration_bounds = array<i64: 2, 16>, scalar_prefetch = 0 : i64, scratch_operands = 7 : i64, tpu.core_type = #tpu.core_type<sc_vector_subcore>, window_params = [{transform_indices = #map}, {transform_indices = #map}, {transform_indices = #map}, {transform_indices = #map}, {transform_indices = #map}]} {
    %mul3A = arith.constant 2 : i32
    %mul3A_0 = arith.muli %arg1, %mul3A : i32
    %add3A = arith.addi %mul3A_0, %arg0 : i32
    %lt3A = arith.constant 20 : i32
    %lt3A_1 = arith.cmpi slt, %add3A, %lt3A : i32
    %jit3A = arith.constant 1 : i32
    %jit3A_2 = arith.constant 0 : i32
    %select_n3A = arith.select %lt3A_1, %jit3A, %jit3A_2 : i32
    %add3A_3 = arith.constant 15 : i32
    %add3A_4 = arith.addi %add3A_3, %select_n3A : i32
    %mul3A_5 = arith.constant 15 : i32
    %mul3A_6 = arith.muli %add3A, %mul3A_5 : i32
    %min3A = arith.constant 20 : i32
    %min3A_7 = arith.minsi %add3A, %min3A : i32
    %add3A_8 = arith.addi %mul3A_6, %min3A_7 : i32
    %broadcast_in_dim3A = arith.constant 0.000000e+00 : f32
    %broadcast_in_dim3A_9 = vector.broadcast %broadcast_in_dim3A : f32 to vector<16xf32>
    %swap3A = arith.constant 0 : index
    %swap3A_10 = tpu.vector_load %arg10[%swap3A] {strides = array<i32>} : memref<160xf32, #tpu.memory_space<vmem>>, vector<16xf32>,
    tpu.vector_store %arg10[%swap3A], %broadcast_in_dim3A_9 {strides = array<i32>} : memref<160xf32, #tpu.memory_space<vmem>>, vector<16xf32>,
    %swap3A_11 = arith.constant 0 : index
    %swap3A_12 = tpu.vector_load %arg11[%swap3A_11] {strides = array<i32>} : memref<160xf32, #tpu.memory_space<vmem>>, vector<16xf32>,
    tpu.vector_store %arg11[%swap3A_11], %broadcast_in_dim3A_9 {strides = array<i32>} : memref<160xf32, #tpu.memory_space<vmem>>, vector<16xf32>,
    %swap3A_13 = arith.constant 16 : index
    %swap3A_14 = tpu.vector_load %arg10[%swap3A_13] {strides = array<i32>} : memref<160xf32, #tpu.memory_space<vmem>>, vector<16xf32>,
    tpu.vector_store %arg10[%swap3A_13], %broadcast_in_dim3A_9 {strides = array<i32>} : memref<160xf32, #tpu.memory_space<vmem>>, vector<16xf32>,
    %swap3A_15 = arith.constant 16 : index
    %swap3A_16 = tpu.vector_load %arg11[%swap3A_15] {strides = array<i32>} : memref<160xf32, #tpu.memory_space<vmem>>, vector<16xf32>,
    tpu.vector_store %arg11[%swap3A_15], %broadcast_in_dim3A_9 {strides = array<i32>} : memref<160xf32, #tpu.memory_space<vmem>>, vector<16xf32>,
    %swap3A_17 = arith.constant 32 : index
    %swap3A_18 = tpu.vector_load %arg10[%swap3A_17] {strides = array<i32>} : memref<160xf32, #tpu.memory_space<vmem>>, vector<16xf32>,
    tpu.vector_store %arg10[%swap3A_17], %broadcast_in_dim3A_9 {strides = array<i32>} : memref<160xf32, #tpu.memory_space<vmem>>, vector<16xf32>,
    %swap3A_19 = arith.constant 32 : index
    %swap3A_20 = tpu.vector_load %arg11[%swap3A_19] {strides = array<i32>} : memref<160xf32, #tpu.memory_space<vmem>>, vector<16xf32>,
    tpu.vector_store %arg11[%swap3A_19], %broadcast_in_dim3A_9 {strides = array<i32>} : memref<160xf32, #tpu.memory_space<vmem>>, vector<16xf32>,
    %swap3A_21 = arith.constant 48 : index
    %swap3A_22 = tpu.vector_load %arg10[%swap3A_21] {strides = array<i32>} : memref<160xf32, #tpu.memory_space<vmem>>, vector<16xf32>,
    tpu.vector_store %arg10[%swap3A_21], %broadcast_in_dim3A_9 {strides = array<i32>} : memref<160xf32, #tpu.memory_space<vmem>>, vector<16xf32>,
    %swap3A_23 = arith.constant 48 : index
    %swap3A_24 = tpu.vector_load %arg11[%swap3A_23] {strides = array<i32>} : memref<160xf32, #tpu.memory_space<vmem>>, vector<16xf32>,
    tpu.vector_store %arg11[%swap3A_23], %broadcast_in_dim3A_9 {strides = array<i32>} : memref<160xf32, #tpu.memory_space<vmem>>, vector<16xf32>,
    %swap3A_25 = arith.constant 64 : index
    %swap3A_26 = tpu.vector_load %arg10[%swap3A_25] {strides = array<i32>} : memref<160xf32, #tpu.memory_space<vmem>>, vector<16xf32>,
    tpu.vector_store %arg10[%swap3A_25], %broadcast_in_dim3A_9 {strides = array<i32>} : memref<160xf32, #tpu.memory_space<vmem>>, vector<16xf32>,
    %swap3A_27 = arith.constant 64 : index
    %swap3A_28 = tpu.vector_load %arg11[%swap3A_27] {strides = array<i32>} : memref<160xf32, #tpu.memory_space<vmem>>, vector<16xf32>,
    tpu.vector_store %arg11[%swap3A_27], %broadcast_in_dim3A_9 {strides = array<i32>} : memref<160xf32, #tpu.memory_space<vmem>>, vector<16xf32>,
    %swap3A_29 = arith.constant 80 : index
    %swap3A_30 = tpu.vector_load %arg10[%swap3A_29] {strides = array<i32>} : memref<160xf32, #tpu.memory_space<vmem>>, vector<16xf32>,
    tpu.vector_store %arg10[%swap3A_29], %broadcast_in_dim3A_9 {strides = array<i32>} : memref<160xf32, #tpu.memory_space<vmem>>, vector<16xf32>,
    %swap3A_31 = arith.constant 80 : index
    %swap3A_32 = tpu.vector_load %arg11[%swap3A_31] {strides = array<i32>} : memref<160xf32, #tpu.memory_space<vmem>>, vector<16xf32>,
    tpu.vector_store %arg11[%swap3A_31], %broadcast_in_dim3A_9 {strides = array<i32>} : memref<160xf32, #tpu.memory_space<vmem>>, vector<16xf32>,
    %swap3A_33 = arith.constant 96 : index
    %swap3A_34 = tpu.vector_load %arg10[%swap3A_33] {strides = array<i32>} : memref<160xf32, #tpu.memory_space<vmem>>, vector<16xf32>,
    tpu.vector_store %arg10[%swap3A_33], %broadcast_in_dim3A_9 {strides = array<i32>} : memref<160xf32, #tpu.memory_space<vmem>>, vector<16xf32>,
    %swap3A_35 = arith.constant 96 : index
    %swap3A_36 = tpu.vector_load %arg11[%swap3A_35] {strides = array<i32>} : memref<160xf32, #tpu.memory_space<vmem>>, vector<16xf32>,
    tpu.vector_store %arg11[%swap3A_35], %broadcast_in_dim3A_9 {strides = array<i32>} : memref<160xf32, #tpu.memory_space<vmem>>, vector<16xf32>,
    %swap3A_37 = arith.constant 112 : index
    %swap3A_38 = tpu.vector_load %arg10[%swap3A_37] {strides = array<i32>} : memref<160xf32, #tpu.memory_space<vmem>>, vector<16xf32>,
    tpu.vector_store %arg10[%swap3A_37], %broadcast_in_dim3A_9 {strides = array<i32>} : memref<160xf32, #tpu.memory_space<vmem>>, vector<16xf32>,
    %swap3A_39 = arith.constant 112 : index
    %swap3A_40 = tpu.vector_load %arg11[%swap3A_39] {strides = array<i32>} : memref<160xf32, #tpu.memory_space<vmem>>, vector<16xf32>,
    tpu.vector_store %arg11[%swap3A_39], %broadcast_in_dim3A_9 {strides = array<i32>} : memref<160xf32, #tpu.memory_space<vmem>>, vector<16xf32>,
    %swap3A_41 = arith.constant 128 : index
    %swap3A_42 = tpu.vector_load %arg10[%swap3A_41] {strides = array<i32>} : memref<160xf32, #tpu.memory_space<vmem>>, vector<16xf32>,
    tpu.vector_store %arg10[%swap3A_41], %broadcast_in_dim3A_9 {strides = array<i32>} : memref<160xf32, #tpu.memory_space<vmem>>, vector<16xf32>,
    %swap3A_43 = arith.constant 128 : index
    %swap3A_44 = tpu.vector_load %arg11[%swap3A_43] {strides = array<i32>} : memref<160xf32, #tpu.memory_space<vmem>>, vector<16xf32>,
    tpu.vector_store %arg11[%swap3A_43], %broadcast_in_dim3A_9 {strides = array<i32>} : memref<160xf32, #tpu.memory_space<vmem>>, vector<16xf32>,
    %swap3A_45 = arith.constant 144 : index
    %swap3A_46 = tpu.vector_load %arg10[%swap3A_45] {strides = array<i32>} : memref<160xf32, #tpu.memory_space<vmem>>, vector<16xf32>,
    tpu.vector_store %arg10[%swap3A_45], %broadcast_in_dim3A_9 {strides = array<i32>} : memref<160xf32, #tpu.memory_space<vmem>>, vector<16xf32>,
    %swap3A_47 = arith.constant 144 : index
    %swap3A_48 = tpu.vector_load %arg11[%swap3A_47] {strides = array<i32>} : memref<160xf32, #tpu.memory_space<vmem>>, vector<16xf32>,
    tpu.vector_store %arg11[%swap3A_47], %broadcast_in_dim3A_9 {strides = array<i32>} : memref<160xf32, #tpu.memory_space<vmem>>, vector<16xf32>,
    %iota3A = tpu.iota {dimensions = array<i32: 0>} : vector<16xi32>
    %broadcast_in_dim3A_49 = arith.constant 1.000000e+00 : f32
    %broadcast_in_dim3A_50 = vector.broadcast %broadcast_in_dim3A_49 : f32 to vector<16xf32>
    %mul3A_51 = arith.constant 8000 : i32
    %mul3A_52 = arith.muli %add3A_8, %mul3A_51 : i32
    %dma_start3A = arith.constant 0 : i32
    %dma_start3A_53 = tpu.memref_slice %arg7[%dma_start3A] : memref<16000xf32, #tpu.memory_space<vmem>> -> memref<8000xf32, #tpu.memory_space<vmem>>
    %dma_start3A_54 = tpu.memref_slice %arg2[%mul3A_52] : memref<4000000xf32, #tpu.memory_space<hbm>> -> memref<8000xf32, #tpu.memory_space<hbm>>
    %dma_start3A_55 = arith.constant 0 : i32
    %dma_start3A_56 = tpu.memref_slice %arg7[%dma_start3A_55] : memref<16000xf32, #tpu.memory_space<vmem>> -> memref<8000xf32, #tpu.memory_space<vmem>>
    %dma_start3A_57 = tpu.memref_slice %arg2[%mul3A_52] : memref<4000000xf32, #tpu.memory_space<hbm>> -> memref<8000xf32, #tpu.memory_space<hbm>>
    tpu.enqueue_dma source(%dma_start3A_57 : memref<8000xf32, #tpu.memory_space<hbm>>) target(%dma_start3A_56 : memref<8000xf32, #tpu.memory_space<vmem>>) target_semaphore(%arg12 : memref<!tpu.dma_semaphore, #tpu.memory_space<semaphore_mem>>)
    %dma_start3A_58 = arith.constant 0 : i32
    %dma_start3A_59 = tpu.memref_slice %arg8[%dma_start3A_58] : memref<16000xf32, #tpu.memory_space<vmem>> -> memref<8000xf32, #tpu.memory_space<vmem>>
    %dma_start3A_60 = tpu.memref_slice %arg3[%mul3A_52] : memref<4000000xf32, #tpu.memory_space<hbm>> -> memref<8000xf32, #tpu.memory_space<hbm>>
    %dma_start3A_61 = arith.constant 0 : i32
    %dma_start3A_62 = tpu.memref_slice %arg8[%dma_start3A_61] : memref<16000xf32, #tpu.memory_space<vmem>> -> memref<8000xf32, #tpu.memory_space<vmem>>
    %dma_start3A_63 = tpu.memref_slice %arg3[%mul3A_52] : memref<4000000xf32, #tpu.memory_space<hbm>> -> memref<8000xf32, #tpu.memory_space<hbm>>
    tpu.enqueue_dma source(%dma_start3A_63 : memref<8000xf32, #tpu.memory_space<hbm>>) target(%dma_start3A_62 : memref<8000xf32, #tpu.memory_space<vmem>>) target_semaphore(%arg12 : memref<!tpu.dma_semaphore, #tpu.memory_space<semaphore_mem>>)
    %dma_start3A_64 = arith.constant 0 : i32
    %dma_start3A_65 = tpu.memref_slice %arg9[%dma_start3A_64] : memref<16000xi32, #tpu.memory_space<vmem>> -> memref<8000xi32, #tpu.memory_space<vmem>>
    %dma_start3A_66 = tpu.memref_slice %arg4[%mul3A_52] : memref<4000000xi32, #tpu.memory_space<hbm>> -> memref<8000xi32, #tpu.memory_space<hbm>>
    %dma_start3A_67 = arith.constant 0 : i32
    %dma_start3A_68 = tpu.memref_slice %arg9[%dma_start3A_67] : memref<16000xi32, #tpu.memory_space<vmem>> -> memref<8000xi32, #tpu.memory_space<vmem>>
    %dma_start3A_69 = tpu.memref_slice %arg4[%mul3A_52] : memref<4000000xi32, #tpu.memory_space<hbm>> -> memref<8000xi32, #tpu.memory_space<hbm>>
    tpu.enqueue_dma source(%dma_start3A_69 : memref<8000xi32, #tpu.memory_space<hbm>>) target(%dma_start3A_68 : memref<8000xi32, #tpu.memory_space<vmem>>) target_semaphore(%arg12 : memref<!tpu.dma_semaphore, #tpu.memory_space<semaphore_mem>>)
    %while3A = arith.constant 0 : i32
    %while3A_70 = arith.constant 0 : i32
    %while3A_71 = arith.subi %add3A_4, %while3A_70 : i32
    %while3A_72 = arith.addi %while3A_70, %while3A_71 : i32
    %while3A_73 = arith.constant 1 : i32
    %while3A_74 = arith.divsi %while3A_71, %while3A_73 : i32
    %while3A_75 = arith.muli %while3A_74, %while3A_73 : i32
    %while3A_76 = arith.addi %while3A_70, %while3A_75 : i32
    %while3A_77 = arith.constant 1 : i32
    scf.for %while3A_81 = %while3A_70 to %while3A_76 step %while3A_77  : i32 {
      %rem3A = arith.constant 2 : i32
      %rem3A_82 = arith.remsi %while3A_81, %rem3A : i32
      %add3A_83 = arith.constant 1 : i32
      %add3A_84 = arith.addi %while3A_81, %add3A_83 : i32
      %lt3A_85 = arith.cmpi slt, %add3A_84, %add3A_4 : i32
      %convert_element_type3A = arith.extui %lt3A_85 : i1 to i32
      %cond3A = arith.constant 0 : i32
      %cond3A_86 = arith.cmpi ne, %convert_element_type3A, %cond3A : i32
      scf.if %cond3A_86 {
        %eq3A_100 = arith.constant 0 : i32
        %eq3A_101 = arith.cmpi eq, %rem3A_82, %eq3A_100 : i32
        %convert_element_type3A_102 = arith.extui %eq3A_101 : i1 to i32
        %cond3A_103 = arith.constant 0 : i32
        %cond3A_104 = arith.cmpi ne, %convert_element_type3A_102, %cond3A_103 : i32
        scf.if %cond3A_104 {
          %add3A_110 = arith.addi %add3A_8, %while3A_81 : i32
          %add3A_111 = arith.constant 1 : i32
          %add3A_112 = arith.addi %add3A_110, %add3A_111 : i32
          %mul3A_113 = arith.constant 8000 : i32
          %mul3A_114 = arith.muli %add3A_112, %mul3A_113 : i32
          %dma_start3A_115 = arith.constant 8000 : i32
          %dma_start3A_116 = tpu.memref_slice %arg7[%dma_start3A_115] : memref<16000xf32, #tpu.memory_space<vmem>> -> memref<8000xf32, #tpu.memory_space<vmem>>
          %dma_start3A_117 = tpu.memref_slice %arg2[%mul3A_114] : memref<4000000xf32, #tpu.memory_space<hbm>> -> memref<8000xf32, #tpu.memory_space<hbm>>
          %dma_start3A_118 = arith.constant 8000 : i32
          %dma_start3A_119 = tpu.memref_slice %arg7[%dma_start3A_118] : memref<16000xf32, #tpu.memory_space<vmem>> -> memref<8000xf32, #tpu.memory_space<vmem>>
          %dma_start3A_120 = tpu.memref_slice %arg2[%mul3A_114] : memref<4000000xf32, #tpu.memory_space<hbm>> -> memref<8000xf32, #tpu.memory_space<hbm>>
          tpu.enqueue_dma source(%dma_start3A_120 : memref<8000xf32, #tpu.memory_space<hbm>>) target(%dma_start3A_119 : memref<8000xf32, #tpu.memory_space<vmem>>) target_semaphore(%arg13 : memref<!tpu.dma_semaphore, #tpu.memory_space<semaphore_mem>>)
          %dma_start3A_121 = arith.constant 8000 : i32
          %dma_start3A_122 = tpu.memref_slice %arg8[%dma_start3A_121] : memref<16000xf32, #tpu.memory_space<vmem>> -> memref<8000xf32, #tpu.memory_space<vmem>>
          %dma_start3A_123 = tpu.memref_slice %arg3[%mul3A_114] : memref<4000000xf32, #tpu.memory_space<hbm>> -> memref<8000xf32, #tpu.memory_space<hbm>>
          %dma_start3A_124 = arith.constant 8000 : i32
          %dma_start3A_125 = tpu.memref_slice %arg8[%dma_start3A_124] : memref<16000xf32, #tpu.memory_space<vmem>> -> memref<8000xf32, #tpu.memory_space<vmem>>
          %dma_start3A_126 = tpu.memref_slice %arg3[%mul3A_114] : memref<4000000xf32, #tpu.memory_space<hbm>> -> memref<8000xf32, #tpu.memory_space<hbm>>
          tpu.enqueue_dma source(%dma_start3A_126 : memref<8000xf32, #tpu.memory_space<hbm>>) target(%dma_start3A_125 : memref<8000xf32, #tpu.memory_space<vmem>>) target_semaphore(%arg13 : memref<!tpu.dma_semaphore, #tpu.memory_space<semaphore_mem>>)
          %dma_start3A_127 = arith.constant 8000 : i32
          %dma_start3A_128 = tpu.memref_slice %arg9[%dma_start3A_127] : memref<16000xi32, #tpu.memory_space<vmem>> -> memref<8000xi32, #tpu.memory_space<vmem>>
          %dma_start3A_129 = tpu.memref_slice %arg4[%mul3A_114] : memref<4000000xi32, #tpu.memory_space<hbm>> -> memref<8000xi32, #tpu.memory_space<hbm>>
          %dma_start3A_130 = arith.constant 8000 : i32
          %dma_start3A_131 = tpu.memref_slice %arg9[%dma_start3A_130] : memref<16000xi32, #tpu.memory_space<vmem>> -> memref<8000xi32, #tpu.memory_space<vmem>>
          %dma_start3A_132 = tpu.memref_slice %arg4[%mul3A_114] : memref<4000000xi32, #tpu.memory_space<hbm>> -> memref<8000xi32, #tpu.memory_space<hbm>>
          tpu.enqueue_dma source(%dma_start3A_132 : memref<8000xi32, #tpu.memory_space<hbm>>) target(%dma_start3A_131 : memref<8000xi32, #tpu.memory_space<vmem>>) target_semaphore(%arg13 : memref<!tpu.dma_semaphore, #tpu.memory_space<semaphore_mem>>)
        } else {
        }
        %eq3A_105 = arith.constant 1 : i32
        %eq3A_106 = arith.cmpi eq, %rem3A_82, %eq3A_105 : i32
        %convert_element_type3A_107 = arith.extui %eq3A_106 : i1 to i32
        %cond3A_108 = arith.constant 0 : i32
        %cond3A_109 = arith.cmpi ne, %convert_element_type3A_107, %cond3A_108 : i32
        scf.if %cond3A_109 {
          %add3A_110 = arith.addi %add3A_8, %while3A_81 : i32
          %add3A_111 = arith.constant 1 : i32
          %add3A_112 = arith.addi %add3A_110, %add3A_111 : i32
          %mul3A_113 = arith.constant 8000 : i32
          %mul3A_114 = arith.muli %add3A_112, %mul3A_113 : i32
          %dma_start3A_115 = arith.constant 0 : i32
          %dma_start3A_116 = tpu.memref_slice %arg7[%dma_start3A_115] : memref<16000xf32, #tpu.memory_space<vmem>> -> memref<8000xf32, #tpu.memory_space<vmem>>
          %dma_start3A_117 = tpu.memref_slice %arg2[%mul3A_114] : memref<4000000xf32, #tpu.memory_space<hbm>> -> memref<8000xf32, #tpu.memory_space<hbm>>
          %dma_start3A_118 = arith.constant 0 : i32
          %dma_start3A_119 = tpu.memref_slice %arg7[%dma_start3A_118] : memref<16000xf32, #tpu.memory_space<vmem>> -> memref<8000xf32, #tpu.memory_space<vmem>>
          %dma_start3A_120 = tpu.memref_slice %arg2[%mul3A_114] : memref<4000000xf32, #tpu.memory_space<hbm>> -> memref<8000xf32, #tpu.memory_space<hbm>>
          tpu.enqueue_dma source(%dma_start3A_120 : memref<8000xf32, #tpu.memory_space<hbm>>) target(%dma_start3A_119 : memref<8000xf32, #tpu.memory_space<vmem>>) target_semaphore(%arg12 : memref<!tpu.dma_semaphore, #tpu.memory_space<semaphore_mem>>)
          %dma_start3A_121 = arith.constant 0 : i32
          %dma_start3A_122 = tpu.memref_slice %arg8[%dma_start3A_121] : memref<16000xf32, #tpu.memory_space<vmem>> -> memref<8000xf32, #tpu.memory_space<vmem>>
          %dma_start3A_123 = tpu.memref_slice %arg3[%mul3A_114] : memref<4000000xf32, #tpu.memory_space<hbm>> -> memref<8000xf32, #tpu.memory_space<hbm>>
          %dma_start3A_124 = arith.constant 0 : i32
          %dma_start3A_125 = tpu.memref_slice %arg8[%dma_start3A_124] : memref<16000xf32, #tpu.memory_space<vmem>> -> memref<8000xf32, #tpu.memory_space<vmem>>
          %dma_start3A_126 = tpu.memref_slice %arg3[%mul3A_114] : memref<4000000xf32, #tpu.memory_space<hbm>> -> memref<8000xf32, #tpu.memory_space<hbm>>
          tpu.enqueue_dma source(%dma_start3A_126 : memref<8000xf32, #tpu.memory_space<hbm>>) target(%dma_start3A_125 : memref<8000xf32, #tpu.memory_space<vmem>>) target_semaphore(%arg12 : memref<!tpu.dma_semaphore, #tpu.memory_space<semaphore_mem>>)
          %dma_start3A_127 = arith.constant 0 : i32
          %dma_start3A_128 = tpu.memref_slice %arg9[%dma_start3A_127] : memref<16000xi32, #tpu.memory_space<vmem>> -> memref<8000xi32, #tpu.memory_space<vmem>>
          %dma_start3A_129 = tpu.memref_slice %arg4[%mul3A_114] : memref<4000000xi32, #tpu.memory_space<hbm>> -> memref<8000xi32, #tpu.memory_space<hbm>>
          %dma_start3A_130 = arith.constant 0 : i32
          %dma_start3A_131 = tpu.memref_slice %arg9[%dma_start3A_130] : memref<16000xi32, #tpu.memory_space<vmem>> -> memref<8000xi32, #tpu.memory_space<vmem>>
          %dma_start3A_132 = tpu.memref_slice %arg4[%mul3A_114] : memref<4000000xi32, #tpu.memory_space<hbm>> -> memref<8000xi32, #tpu.memory_space<hbm>>
          tpu.enqueue_dma source(%dma_start3A_132 : memref<8000xi32, #tpu.memory_space<hbm>>) target(%dma_start3A_131 : memref<8000xi32, #tpu.memory_space<vmem>>) target_semaphore(%arg12 : memref<!tpu.dma_semaphore, #tpu.memory_space<semaphore_mem>>)
        } else {
        }
      } else {
      }
      %eq3A = arith.constant 0 : i32
      %eq3A_87 = arith.cmpi eq, %rem3A_82, %eq3A : i32
      %convert_element_type3A_88 = arith.extui %eq3A_87 : i1 to i32
      %cond3A_89 = arith.constant 0 : i32
      %cond3A_90 = arith.cmpi ne, %convert_element_type3A_88, %cond3A_89 : i32
      scf.if %cond3A_90 {
        %dma_wait3A = arith.constant 0 : i32
        %dma_wait3A_100 = tpu.memref_slice %arg7[%dma_wait3A] : memref<16000xf32, #tpu.memory_space<vmem>> -> memref<8000xf32, #tpu.memory_space<vmem>>
        %dma_wait3A_101 = arith.constant 0 : i32
        %dma_wait3A_102 = tpu.memref_slice %arg2[%dma_wait3A_101] : memref<4000000xf32, #tpu.memory_space<hbm>> -> memref<8000xf32, #tpu.memory_space<hbm>>
        %dma_wait3A_103 = arith.constant 0 : i32
        %dma_wait3A_104 = tpu.memref_slice %arg7[%dma_wait3A_103] : memref<16000xf32, #tpu.memory_space<vmem>> -> memref<8000xf32, #tpu.memory_space<vmem>>
        %dma_wait3A_105 = arith.constant 0 : i32
        %dma_wait3A_106 = tpu.memref_slice %arg2[%dma_wait3A_105] : memref<4000000xf32, #tpu.memory_space<hbm>> -> memref<8000xf32, #tpu.memory_space<hbm>>
        tpu.wait_dma2 semaphore(%arg12 : memref<!tpu.dma_semaphore, #tpu.memory_space<semaphore_mem>>) src(%dma_wait3A_106 : memref<8000xf32, #tpu.memory_space<hbm>>) dst(%dma_wait3A_104 : memref<8000xf32, #tpu.memory_space<vmem>>)
        %dma_wait3A_107 = arith.constant 0 : i32
        %dma_wait3A_108 = tpu.memref_slice %arg8[%dma_wait3A_107] : memref<16000xf32, #tpu.memory_space<vmem>> -> memref<8000xf32, #tpu.memory_space<vmem>>
        %dma_wait3A_109 = arith.constant 0 : i32
        %dma_wait3A_110 = tpu.memref_slice %arg3[%dma_wait3A_109] : memref<4000000xf32, #tpu.memory_space<hbm>> -> memref<8000xf32, #tpu.memory_space<hbm>>
        %dma_wait3A_111 = arith.constant 0 : i32
        %dma_wait3A_112 = tpu.memref_slice %arg8[%dma_wait3A_111] : memref<16000xf32, #tpu.memory_space<vmem>> -> memref<8000xf32, #tpu.memory_space<vmem>>
        %dma_wait3A_113 = arith.constant 0 : i32
        %dma_wait3A_114 = tpu.memref_slice %arg3[%dma_wait3A_113] : memref<4000000xf32, #tpu.memory_space<hbm>> -> memref<8000xf32, #tpu.memory_space<hbm>>
        tpu.wait_dma2 semaphore(%arg12 : memref<!tpu.dma_semaphore, #tpu.memory_space<semaphore_mem>>) src(%dma_wait3A_114 : memref<8000xf32, #tpu.memory_space<hbm>>) dst(%dma_wait3A_112 : memref<8000xf32, #tpu.memory_space<vmem>>)
        %dma_wait3A_115 = arith.constant 0 : i32
        %dma_wait3A_116 = tpu.memref_slice %arg9[%dma_wait3A_115] : memref<16000xi32, #tpu.memory_space<vmem>> -> memref<8000xi32, #tpu.memory_space<vmem>>
        %dma_wait3A_117 = arith.constant 0 : i32
        %dma_wait3A_118 = tpu.memref_slice %arg4[%dma_wait3A_117] : memref<4000000xi32, #tpu.memory_space<hbm>> -> memref<8000xi32, #tpu.memory_space<hbm>>
        %dma_wait3A_119 = arith.constant 0 : i32
        %dma_wait3A_120 = tpu.memref_slice %arg9[%dma_wait3A_119] : memref<16000xi32, #tpu.memory_space<vmem>> -> memref<8000xi32, #tpu.memory_space<vmem>>
        %dma_wait3A_121 = arith.constant 0 : i32
        %dma_wait3A_122 = tpu.memref_slice %arg4[%dma_wait3A_121] : memref<4000000xi32, #tpu.memory_space<hbm>> -> memref<8000xi32, #tpu.memory_space<hbm>>
        tpu.wait_dma2 semaphore(%arg12 : memref<!tpu.dma_semaphore, #tpu.memory_space<semaphore_mem>>) src(%dma_wait3A_122 : memref<8000xi32, #tpu.memory_space<hbm>>) dst(%dma_wait3A_120 : memref<8000xi32, #tpu.memory_space<vmem>>)
      } else {
      }
      %eq3A_91 = arith.constant 1 : i32
      %eq3A_92 = arith.cmpi eq, %rem3A_82, %eq3A_91 : i32
      %convert_element_type3A_93 = arith.extui %eq3A_92 : i1 to i32
      %cond3A_94 = arith.constant 0 : i32
      %cond3A_95 = arith.cmpi ne, %convert_element_type3A_93, %cond3A_94 : i32
      scf.if %cond3A_95 {
        %dma_wait3A = arith.constant 8000 : i32
        %dma_wait3A_100 = tpu.memref_slice %arg7[%dma_wait3A] : memref<16000xf32, #tpu.memory_space<vmem>> -> memref<8000xf32, #tpu.memory_space<vmem>>
        %dma_wait3A_101 = arith.constant 0 : i32
        %dma_wait3A_102 = tpu.memref_slice %arg2[%dma_wait3A_101] : memref<4000000xf32, #tpu.memory_space<hbm>> -> memref<8000xf32, #tpu.memory_space<hbm>>
        %dma_wait3A_103 = arith.constant 8000 : i32
        %dma_wait3A_104 = tpu.memref_slice %arg7[%dma_wait3A_103] : memref<16000xf32, #tpu.memory_space<vmem>> -> memref<8000xf32, #tpu.memory_space<vmem>>
        %dma_wait3A_105 = arith.constant 0 : i32
        %dma_wait3A_106 = tpu.memref_slice %arg2[%dma_wait3A_105] : memref<4000000xf32, #tpu.memory_space<hbm>> -> memref<8000xf32, #tpu.memory_space<hbm>>
        tpu.wait_dma2 semaphore(%arg13 : memref<!tpu.dma_semaphore, #tpu.memory_space<semaphore_mem>>) src(%dma_wait3A_106 : memref<8000xf32, #tpu.memory_space<hbm>>) dst(%dma_wait3A_104 : memref<8000xf32, #tpu.memory_space<vmem>>)
        %dma_wait3A_107 = arith.constant 8000 : i32
        %dma_wait3A_108 = tpu.memref_slice %arg8[%dma_wait3A_107] : memref<16000xf32, #tpu.memory_space<vmem>> -> memref<8000xf32, #tpu.memory_space<vmem>>
        %dma_wait3A_109 = arith.constant 0 : i32
        %dma_wait3A_110 = tpu.memref_slice %arg3[%dma_wait3A_109] : memref<4000000xf32, #tpu.memory_space<hbm>> -> memref<8000xf32, #tpu.memory_space<hbm>>
        %dma_wait3A_111 = arith.constant 8000 : i32
        %dma_wait3A_112 = tpu.memref_slice %arg8[%dma_wait3A_111] : memref<16000xf32, #tpu.memory_space<vmem>> -> memref<8000xf32, #tpu.memory_space<vmem>>
        %dma_wait3A_113 = arith.constant 0 : i32
        %dma_wait3A_114 = tpu.memref_slice %arg3[%dma_wait3A_113] : memref<4000000xf32, #tpu.memory_space<hbm>> -> memref<8000xf32, #tpu.memory_space<hbm>>
        tpu.wait_dma2 semaphore(%arg13 : memref<!tpu.dma_semaphore, #tpu.memory_space<semaphore_mem>>) src(%dma_wait3A_114 : memref<8000xf32, #tpu.memory_space<hbm>>) dst(%dma_wait3A_112 : memref<8000xf32, #tpu.memory_space<vmem>>)
        %dma_wait3A_115 = arith.constant 8000 : i32
        %dma_wait3A_116 = tpu.memref_slice %arg9[%dma_wait3A_115] : memref<16000xi32, #tpu.memory_space<vmem>> -> memref<8000xi32, #tpu.memory_space<vmem>>
        %dma_wait3A_117 = arith.constant 0 : i32
        %dma_wait3A_118 = tpu.memref_slice %arg4[%dma_wait3A_117] : memref<4000000xi32, #tpu.memory_space<hbm>> -> memref<8000xi32, #tpu.memory_space<hbm>>
        %dma_wait3A_119 = arith.constant 8000 : i32
        %dma_wait3A_120 = tpu.memref_slice %arg9[%dma_wait3A_119] : memref<16000xi32, #tpu.memory_space<vmem>> -> memref<8000xi32, #tpu.memory_space<vmem>>
        %dma_wait3A_121 = arith.constant 0 : i32
        %dma_wait3A_122 = tpu.memref_slice %arg4[%dma_wait3A_121] : memref<4000000xi32, #tpu.memory_space<hbm>> -> memref<8000xi32, #tpu.memory_space<hbm>>
        tpu.wait_dma2 semaphore(%arg13 : memref<!tpu.dma_semaphore, #tpu.memory_space<semaphore_mem>>) src(%dma_wait3A_122 : memref<8000xi32, #tpu.memory_space<hbm>>) dst(%dma_wait3A_120 : memref<8000xi32, #tpu.memory_space<vmem>>)
      } else {
      }
      %mul3A_96 = arith.constant 8000 : i32
      %mul3A_97 = arith.muli %rem3A_82, %mul3A_96 : i32
      %parallel_loop3A = arith.constant 0 : i32
      %parallel_loop3A_98 = arith.constant 500 : i32
      %parallel_loop3A_99 = arith.constant 1 : i32
      scf.for %parallel_loop3A_100 = %parallel_loop3A to %parallel_loop3A_98 step %parallel_loop3A_99  : i32 {
        %parallel_loop3A_101 = arith.constant 16 : i32
        %parallel_loop3A_102 = arith.muli %parallel_loop3A_100, %parallel_loop3A_101 : i32
        %parallel_loop3A_103 = arith.addi %mul3A_97, %parallel_loop3A_102 : i32
        %parallel_loop3A_104 = arith.index_cast %parallel_loop3A_103 : i32 to index
        %parallel_loop3A_105 = tpu.vector_load %arg7[%parallel_loop3A_104] {strides = array<i32>} : memref<16000xf32, #tpu.memory_space<vmem>>, vector<16xf32>,
        %parallel_loop3A_106 = arith.index_cast %parallel_loop3A_103 : i32 to index
        %parallel_loop3A_107 = tpu.vector_load %arg8[%parallel_loop3A_106] {strides = array<i32>} : memref<16000xf32, #tpu.memory_space<vmem>>, vector<16xf32>,
        %parallel_loop3A_108 = arith.index_cast %parallel_loop3A_103 : i32 to index
        %parallel_loop3A_109 = tpu.vector_load %arg9[%parallel_loop3A_108] {strides = array<i32>} : memref<16000xi32, #tpu.memory_space<vmem>>, vector<16xi32>,
        %parallel_loop3A_110 = arith.sitofp %parallel_loop3A_109 : vector<16xi32> to vector<16xf32>
        %parallel_loop3A_111 = arith.subf %parallel_loop3A_105, %parallel_loop3A_107 : vector<16xf32>
        %parallel_loop3A_112 = arith.constant 0.000000e+00 : f32
        %parallel_loop3A_113 = vector.broadcast %parallel_loop3A_112 : f32 to vector<16xf32>
        %parallel_loop3A_114 = arith.subf %parallel_loop3A_113, %parallel_loop3A_111 : vector<16xf32>
        %parallel_loop3A_115 = arith.constant 0.000000e+00 : f32
        %parallel_loop3A_116 = vector.broadcast %parallel_loop3A_115 : f32 to vector<16xf32>
        %parallel_loop3A_117 = arith.maximumf %parallel_loop3A_114, %parallel_loop3A_116 : vector<16xf32>
        %parallel_loop3A_118 = arith.mulf %parallel_loop3A_110, %parallel_loop3A_117 : vector<16xf32>
        %parallel_loop3A_119 = arith.constant 2.000000e+00 : f32
        %parallel_loop3A_120 = vector.broadcast %parallel_loop3A_119 : f32 to vector<16xf32>
        %parallel_loop3A_121 = arith.mulf %parallel_loop3A_120, %parallel_loop3A_110 : vector<16xf32>
        %parallel_loop3A_122 = arith.constant 1.000000e+00 : f32
        %parallel_loop3A_123 = vector.broadcast %parallel_loop3A_122 : f32 to vector<16xf32>
        %parallel_loop3A_124 = arith.subf %parallel_loop3A_121, %parallel_loop3A_123 : vector<16xf32>
        %parallel_loop3A_125 = arith.mulf %parallel_loop3A_111, %parallel_loop3A_124 : vector<16xf32>
        %parallel_loop3A_126 = math.exp %parallel_loop3A_125 : vector<16xf32>
        %parallel_loop3A_127 = arith.constant 1.000000e+00 : f32
        %parallel_loop3A_128 = vector.broadcast %parallel_loop3A_127 : f32 to vector<16xf32>
        %parallel_loop3A_129 = arith.addf %parallel_loop3A_128, %parallel_loop3A_126 : vector<16xf32>
        %parallel_loop3A_130 = arith.constant 1.000000e+01 : f32
        %parallel_loop3A_131 = vector.broadcast %parallel_loop3A_130 : f32 to vector<16xf32>
        %parallel_loop3A_132 = arith.divf %parallel_loop3A_131, %parallel_loop3A_129 : vector<16xf32>
        %parallel_loop3A_133 = arith.fptosi %parallel_loop3A_132 : vector<16xf32> to vector<16xi32>
        %parallel_loop3A_134 = arith.constant 9 : i32
        %parallel_loop3A_135 = vector.broadcast %parallel_loop3A_134 : i32 to vector<16xi32>
        %parallel_loop3A_136 = arith.minsi %parallel_loop3A_133, %parallel_loop3A_135 : vector<16xi32>
        %parallel_loop3A_137 = arith.constant 16 : i32
        %parallel_loop3A_138 = vector.broadcast %parallel_loop3A_137 : i32 to vector<16xi32>
        %parallel_loop3A_139 = arith.muli %parallel_loop3A_136, %parallel_loop3A_138 : vector<16xi32>
        %parallel_loop3A_140 = arith.addi %parallel_loop3A_139, %iota3A : vector<16xi32>
        tpu.vector_store_idx %arg11[%parallel_loop3A_140], %parallel_loop3A_118 {add = true} : memref<160xf32, #tpu.memory_space<vmem>>[vector<16xi32>], vector<16xf32>,
        %parallel_loop3A_141 = arith.constant 1.000000e+01 : f32
        %parallel_loop3A_142 = vector.broadcast %parallel_loop3A_141 : f32 to vector<16xf32>
        %parallel_loop3A_143 = arith.cmpf olt, %parallel_loop3A_132, %parallel_loop3A_142 : vector<16xf32>
        tpu.vector_store_idx %arg10[%parallel_loop3A_140], %broadcast_in_dim3A_50 masked %parallel_loop3A_143 {add = true} : memref<160xf32, #tpu.memory_space<vmem>>[vector<16xi32>], vector<16xf32>, vector<16xi1>
      } {sc.loop_unroll_factor = 8 : i64, sc.parallel_access}
    }
    %while3A_78 = arith.constant 1 : i32
    scf.for %while3A_81 = %while3A_76 to %while3A_72 step %while3A_78  : i32 {
      %rem3A = arith.constant 2 : i32
      %rem3A_82 = arith.remsi %while3A_81, %rem3A : i32
      %add3A_83 = arith.constant 1 : i32
      %add3A_84 = arith.addi %while3A_81, %add3A_83 : i32
      %lt3A_85 = arith.cmpi slt, %add3A_84, %add3A_4 : i32
      %convert_element_type3A = arith.extui %lt3A_85 : i1 to i32
      %cond3A = arith.constant 0 : i32
      %cond3A_86 = arith.cmpi ne, %convert_element_type3A, %cond3A : i32
      scf.if %cond3A_86 {
        %eq3A_100 = arith.constant 0 : i32
        %eq3A_101 = arith.cmpi eq, %rem3A_82, %eq3A_100 : i32
        %convert_element_type3A_102 = arith.extui %eq3A_101 : i1 to i32
        %cond3A_103 = arith.constant 0 : i32
        %cond3A_104 = arith.cmpi ne, %convert_element_type3A_102, %cond3A_103 : i32
        scf.if %cond3A_104 {
          %add3A_110 = arith.addi %add3A_8, %while3A_81 : i32
          %add3A_111 = arith.constant 1 : i32
          %add3A_112 = arith.addi %add3A_110, %add3A_111 : i32
          %mul3A_113 = arith.constant 8000 : i32
          %mul3A_114 = arith.muli %add3A_112, %mul3A_113 : i32
          %dma_start3A_115 = arith.constant 8000 : i32
          %dma_start3A_116 = tpu.memref_slice %arg7[%dma_start3A_115] : memref<16000xf32, #tpu.memory_space<vmem>> -> memref<8000xf32, #tpu.memory_space<vmem>>
          %dma_start3A_117 = tpu.memref_slice %arg2[%mul3A_114] : memref<4000000xf32, #tpu.memory_space<hbm>> -> memref<8000xf32, #tpu.memory_space<hbm>>
          %dma_start3A_118 = arith.constant 8000 : i32
          %dma_start3A_119 = tpu.memref_slice %arg7[%dma_start3A_118] : memref<16000xf32, #tpu.memory_space<vmem>> -> memref<8000xf32, #tpu.memory_space<vmem>>
          %dma_start3A_120 = tpu.memref_slice %arg2[%mul3A_114] : memref<4000000xf32, #tpu.memory_space<hbm>> -> memref<8000xf32, #tpu.memory_space<hbm>>
          tpu.enqueue_dma source(%dma_start3A_120 : memref<8000xf32, #tpu.memory_space<hbm>>) target(%dma_start3A_119 : memref<8000xf32, #tpu.memory_space<vmem>>) target_semaphore(%arg13 : memref<!tpu.dma_semaphore, #tpu.memory_space<semaphore_mem>>)
          %dma_start3A_121 = arith.constant 8000 : i32
          %dma_start3A_122 = tpu.memref_slice %arg8[%dma_start3A_121] : memref<16000xf32, #tpu.memory_space<vmem>> -> memref<8000xf32, #tpu.memory_space<vmem>>
          %dma_start3A_123 = tpu.memref_slice %arg3[%mul3A_114] : memref<4000000xf32, #tpu.memory_space<hbm>> -> memref<8000xf32, #tpu.memory_space<hbm>>
          %dma_start3A_124 = arith.constant 8000 : i32
          %dma_start3A_125 = tpu.memref_slice %arg8[%dma_start3A_124] : memref<16000xf32, #tpu.memory_space<vmem>> -> memref<8000xf32, #tpu.memory_space<vmem>>
          %dma_start3A_126 = tpu.memref_slice %arg3[%mul3A_114] : memref<4000000xf32, #tpu.memory_space<hbm>> -> memref<8000xf32, #tpu.memory_space<hbm>>
          tpu.enqueue_dma source(%dma_start3A_126 : memref<8000xf32, #tpu.memory_space<hbm>>) target(%dma_start3A_125 : memref<8000xf32, #tpu.memory_space<vmem>>) target_semaphore(%arg13 : memref<!tpu.dma_semaphore, #tpu.memory_space<semaphore_mem>>)
          %dma_start3A_127 = arith.constant 8000 : i32
          %dma_start3A_128 = tpu.memref_slice %arg9[%dma_start3A_127] : memref<16000xi32, #tpu.memory_space<vmem>> -> memref<8000xi32, #tpu.memory_space<vmem>>
          %dma_start3A_129 = tpu.memref_slice %arg4[%mul3A_114] : memref<4000000xi32, #tpu.memory_space<hbm>> -> memref<8000xi32, #tpu.memory_space<hbm>>
          %dma_start3A_130 = arith.constant 8000 : i32
          %dma_start3A_131 = tpu.memref_slice %arg9[%dma_start3A_130] : memref<16000xi32, #tpu.memory_space<vmem>> -> memref<8000xi32, #tpu.memory_space<vmem>>
          %dma_start3A_132 = tpu.memref_slice %arg4[%mul3A_114] : memref<4000000xi32, #tpu.memory_space<hbm>> -> memref<8000xi32, #tpu.memory_space<hbm>>
          tpu.enqueue_dma source(%dma_start3A_132 : memref<8000xi32, #tpu.memory_space<hbm>>) target(%dma_start3A_131 : memref<8000xi32, #tpu.memory_space<vmem>>) target_semaphore(%arg13 : memref<!tpu.dma_semaphore, #tpu.memory_space<semaphore_mem>>)
        } else {
        }
        %eq3A_105 = arith.constant 1 : i32
        %eq3A_106 = arith.cmpi eq, %rem3A_82, %eq3A_105 : i32
        %convert_element_type3A_107 = arith.extui %eq3A_106 : i1 to i32
        %cond3A_108 = arith.constant 0 : i32
        %cond3A_109 = arith.cmpi ne, %convert_element_type3A_107, %cond3A_108 : i32
        scf.if %cond3A_109 {
          %add3A_110 = arith.addi %add3A_8, %while3A_81 : i32
          %add3A_111 = arith.constant 1 : i32
          %add3A_112 = arith.addi %add3A_110, %add3A_111 : i32
          %mul3A_113 = arith.constant 8000 : i32
          %mul3A_114 = arith.muli %add3A_112, %mul3A_113 : i32
          %dma_start3A_115 = arith.constant 0 : i32
          %dma_start3A_116 = tpu.memref_slice %arg7[%dma_start3A_115] : memref<16000xf32, #tpu.memory_space<vmem>> -> memref<8000xf32, #tpu.memory_space<vmem>>
          %dma_start3A_117 = tpu.memref_slice %arg2[%mul3A_114] : memref<4000000xf32, #tpu.memory_space<hbm>> -> memref<8000xf32, #tpu.memory_space<hbm>>
          %dma_start3A_118 = arith.constant 0 : i32
          %dma_start3A_119 = tpu.memref_slice %arg7[%dma_start3A_118] : memref<16000xf32, #tpu.memory_space<vmem>> -> memref<8000xf32, #tpu.memory_space<vmem>>
          %dma_start3A_120 = tpu.memref_slice %arg2[%mul3A_114] : memref<4000000xf32, #tpu.memory_space<hbm>> -> memref<8000xf32, #tpu.memory_space<hbm>>
          tpu.enqueue_dma source(%dma_start3A_120 : memref<8000xf32, #tpu.memory_space<hbm>>) target(%dma_start3A_119 : memref<8000xf32, #tpu.memory_space<vmem>>) target_semaphore(%arg12 : memref<!tpu.dma_semaphore, #tpu.memory_space<semaphore_mem>>)
          %dma_start3A_121 = arith.constant 0 : i32
          %dma_start3A_122 = tpu.memref_slice %arg8[%dma_start3A_121] : memref<16000xf32, #tpu.memory_space<vmem>> -> memref<8000xf32, #tpu.memory_space<vmem>>
          %dma_start3A_123 = tpu.memref_slice %arg3[%mul3A_114] : memref<4000000xf32, #tpu.memory_space<hbm>> -> memref<8000xf32, #tpu.memory_space<hbm>>
          %dma_start3A_124 = arith.constant 0 : i32
          %dma_start3A_125 = tpu.memref_slice %arg8[%dma_start3A_124] : memref<16000xf32, #tpu.memory_space<vmem>> -> memref<8000xf32, #tpu.memory_space<vmem>>
          %dma_start3A_126 = tpu.memref_slice %arg3[%mul3A_114] : memref<4000000xf32, #tpu.memory_space<hbm>> -> memref<8000xf32, #tpu.memory_space<hbm>>
          tpu.enqueue_dma source(%dma_start3A_126 : memref<8000xf32, #tpu.memory_space<hbm>>) target(%dma_start3A_125 : memref<8000xf32, #tpu.memory_space<vmem>>) target_semaphore(%arg12 : memref<!tpu.dma_semaphore, #tpu.memory_space<semaphore_mem>>)
          %dma_start3A_127 = arith.constant 0 : i32
          %dma_start3A_128 = tpu.memref_slice %arg9[%dma_start3A_127] : memref<16000xi32, #tpu.memory_space<vmem>> -> memref<8000xi32, #tpu.memory_space<vmem>>
          %dma_start3A_129 = tpu.memref_slice %arg4[%mul3A_114] : memref<4000000xi32, #tpu.memory_space<hbm>> -> memref<8000xi32, #tpu.memory_space<hbm>>
          %dma_start3A_130 = arith.constant 0 : i32
          %dma_start3A_131 = tpu.memref_slice %arg9[%dma_start3A_130] : memref<16000xi32, #tpu.memory_space<vmem>> -> memref<8000xi32, #tpu.memory_space<vmem>>
          %dma_start3A_132 = tpu.memref_slice %arg4[%mul3A_114] : memref<4000000xi32, #tpu.memory_space<hbm>> -> memref<8000xi32, #tpu.memory_space<hbm>>
          tpu.enqueue_dma source(%dma_start3A_132 : memref<8000xi32, #tpu.memory_space<hbm>>) target(%dma_start3A_131 : memref<8000xi32, #tpu.memory_space<vmem>>) target_semaphore(%arg12 : memref<!tpu.dma_semaphore, #tpu.memory_space<semaphore_mem>>)
        } else {
        }
      } else {
      }
      %eq3A = arith.constant 0 : i32
      %eq3A_87 = arith.cmpi eq, %rem3A_82, %eq3A : i32
      %convert_element_type3A_88 = arith.extui %eq3A_87 : i1 to i32
      %cond3A_89 = arith.constant 0 : i32
      %cond3A_90 = arith.cmpi ne, %convert_element_type3A_88, %cond3A_89 : i32
      scf.if %cond3A_90 {
        %dma_wait3A = arith.constant 0 : i32
        %dma_wait3A_100 = tpu.memref_slice %arg7[%dma_wait3A] : memref<16000xf32, #tpu.memory_space<vmem>> -> memref<8000xf32, #tpu.memory_space<vmem>>
        %dma_wait3A_101 = arith.constant 0 : i32
        %dma_wait3A_102 = tpu.memref_slice %arg2[%dma_wait3A_101] : memref<4000000xf32, #tpu.memory_space<hbm>> -> memref<8000xf32, #tpu.memory_space<hbm>>
        %dma_wait3A_103 = arith.constant 0 : i32
        %dma_wait3A_104 = tpu.memref_slice %arg7[%dma_wait3A_103] : memref<16000xf32, #tpu.memory_space<vmem>> -> memref<8000xf32, #tpu.memory_space<vmem>>
        %dma_wait3A_105 = arith.constant 0 : i32
        %dma_wait3A_106 = tpu.memref_slice %arg2[%dma_wait3A_105] : memref<4000000xf32, #tpu.memory_space<hbm>> -> memref<8000xf32, #tpu.memory_space<hbm>>
        tpu.wait_dma2 semaphore(%arg12 : memref<!tpu.dma_semaphore, #tpu.memory_space<semaphore_mem>>) src(%dma_wait3A_106 : memref<8000xf32, #tpu.memory_space<hbm>>) dst(%dma_wait3A_104 : memref<8000xf32, #tpu.memory_space<vmem>>)
        %dma_wait3A_107 = arith.constant 0 : i32
        %dma_wait3A_108 = tpu.memref_slice %arg8[%dma_wait3A_107] : memref<16000xf32, #tpu.memory_space<vmem>> -> memref<8000xf32, #tpu.memory_space<vmem>>
        %dma_wait3A_109 = arith.constant 0 : i32
        %dma_wait3A_110 = tpu.memref_slice %arg3[%dma_wait3A_109] : memref<4000000xf32, #tpu.memory_space<hbm>> -> memref<8000xf32, #tpu.memory_space<hbm>>
        %dma_wait3A_111 = arith.constant 0 : i32
        %dma_wait3A_112 = tpu.memref_slice %arg8[%dma_wait3A_111] : memref<16000xf32, #tpu.memory_space<vmem>> -> memref<8000xf32, #tpu.memory_space<vmem>>
        %dma_wait3A_113 = arith.constant 0 : i32
        %dma_wait3A_114 = tpu.memref_slice %arg3[%dma_wait3A_113] : memref<4000000xf32, #tpu.memory_space<hbm>> -> memref<8000xf32, #tpu.memory_space<hbm>>
        tpu.wait_dma2 semaphore(%arg12 : memref<!tpu.dma_semaphore, #tpu.memory_space<semaphore_mem>>) src(%dma_wait3A_114 : memref<8000xf32, #tpu.memory_space<hbm>>) dst(%dma_wait3A_112 : memref<8000xf32, #tpu.memory_space<vmem>>)
        %dma_wait3A_115 = arith.constant 0 : i32
        %dma_wait3A_116 = tpu.memref_slice %arg9[%dma_wait3A_115] : memref<16000xi32, #tpu.memory_space<vmem>> -> memref<8000xi32, #tpu.memory_space<vmem>>
        %dma_wait3A_117 = arith.constant 0 : i32
        %dma_wait3A_118 = tpu.memref_slice %arg4[%dma_wait3A_117] : memref<4000000xi32, #tpu.memory_space<hbm>> -> memref<8000xi32, #tpu.memory_space<hbm>>
        %dma_wait3A_119 = arith.constant 0 : i32
        %dma_wait3A_120 = tpu.memref_slice %arg9[%dma_wait3A_119] : memref<16000xi32, #tpu.memory_space<vmem>> -> memref<8000xi32, #tpu.memory_space<vmem>>
        %dma_wait3A_121 = arith.constant 0 : i32
        %dma_wait3A_122 = tpu.memref_slice %arg4[%dma_wait3A_121] : memref<4000000xi32, #tpu.memory_space<hbm>> -> memref<8000xi32, #tpu.memory_space<hbm>>
        tpu.wait_dma2 semaphore(%arg12 : memref<!tpu.dma_semaphore, #tpu.memory_space<semaphore_mem>>) src(%dma_wait3A_122 : memref<8000xi32, #tpu.memory_space<hbm>>) dst(%dma_wait3A_120 : memref<8000xi32, #tpu.memory_space<vmem>>)
      } else {
      }
      %eq3A_91 = arith.constant 1 : i32
      %eq3A_92 = arith.cmpi eq, %rem3A_82, %eq3A_91 : i32
      %convert_element_type3A_93 = arith.extui %eq3A_92 : i1 to i32
      %cond3A_94 = arith.constant 0 : i32
      %cond3A_95 = arith.cmpi ne, %convert_element_type3A_93, %cond3A_94 : i32
      scf.if %cond3A_95 {
        %dma_wait3A = arith.constant 8000 : i32
        %dma_wait3A_100 = tpu.memref_slice %arg7[%dma_wait3A] : memref<16000xf32, #tpu.memory_space<vmem>> -> memref<8000xf32, #tpu.memory_space<vmem>>
        %dma_wait3A_101 = arith.constant 0 : i32
        %dma_wait3A_102 = tpu.memref_slice %arg2[%dma_wait3A_101] : memref<4000000xf32, #tpu.memory_space<hbm>> -> memref<8000xf32, #tpu.memory_space<hbm>>
        %dma_wait3A_103 = arith.constant 8000 : i32
        %dma_wait3A_104 = tpu.memref_slice %arg7[%dma_wait3A_103] : memref<16000xf32, #tpu.memory_space<vmem>> -> memref<8000xf32, #tpu.memory_space<vmem>>
        %dma_wait3A_105 = arith.constant 0 : i32
        %dma_wait3A_106 = tpu.memref_slice %arg2[%dma_wait3A_105] : memref<4000000xf32, #tpu.memory_space<hbm>> -> memref<8000xf32, #tpu.memory_space<hbm>>
        tpu.wait_dma2 semaphore(%arg13 : memref<!tpu.dma_semaphore, #tpu.memory_space<semaphore_mem>>) src(%dma_wait3A_106 : memref<8000xf32, #tpu.memory_space<hbm>>) dst(%dma_wait3A_104 : memref<8000xf32, #tpu.memory_space<vmem>>)
        %dma_wait3A_107 = arith.constant 8000 : i32
        %dma_wait3A_108 = tpu.memref_slice %arg8[%dma_wait3A_107] : memref<16000xf32, #tpu.memory_space<vmem>> -> memref<8000xf32, #tpu.memory_space<vmem>>
        %dma_wait3A_109 = arith.constant 0 : i32
        %dma_wait3A_110 = tpu.memref_slice %arg3[%dma_wait3A_109] : memref<4000000xf32, #tpu.memory_space<hbm>> -> memref<8000xf32, #tpu.memory_space<hbm>>
        %dma_wait3A_111 = arith.constant 8000 : i32
        %dma_wait3A_112 = tpu.memref_slice %arg8[%dma_wait3A_111] : memref<16000xf32, #tpu.memory_space<vmem>> -> memref<8000xf32, #tpu.memory_space<vmem>>
        %dma_wait3A_113 = arith.constant 0 : i32
        %dma_wait3A_114 = tpu.memref_slice %arg3[%dma_wait3A_113] : memref<4000000xf32, #tpu.memory_space<hbm>> -> memref<8000xf32, #tpu.memory_space<hbm>>
        tpu.wait_dma2 semaphore(%arg13 : memref<!tpu.dma_semaphore, #tpu.memory_space<semaphore_mem>>) src(%dma_wait3A_114 : memref<8000xf32, #tpu.memory_space<hbm>>) dst(%dma_wait3A_112 : memref<8000xf32, #tpu.memory_space<vmem>>)
        %dma_wait3A_115 = arith.constant 8000 : i32
        %dma_wait3A_116 = tpu.memref_slice %arg9[%dma_wait3A_115] : memref<16000xi32, #tpu.memory_space<vmem>> -> memref<8000xi32, #tpu.memory_space<vmem>>
        %dma_wait3A_117 = arith.constant 0 : i32
        %dma_wait3A_118 = tpu.memref_slice %arg4[%dma_wait3A_117] : memref<4000000xi32, #tpu.memory_space<hbm>> -> memref<8000xi32, #tpu.memory_space<hbm>>
        %dma_wait3A_119 = arith.constant 8000 : i32
        %dma_wait3A_120 = tpu.memref_slice %arg9[%dma_wait3A_119] : memref<16000xi32, #tpu.memory_space<vmem>> -> memref<8000xi32, #tpu.memory_space<vmem>>
        %dma_wait3A_121 = arith.constant 0 : i32
        %dma_wait3A_122 = tpu.memref_slice %arg4[%dma_wait3A_121] : memref<4000000xi32, #tpu.memory_space<hbm>> -> memref<8000xi32, #tpu.memory_space<hbm>>
        tpu.wait_dma2 semaphore(%arg13 : memref<!tpu.dma_semaphore, #tpu.memory_space<semaphore_mem>>) src(%dma_wait3A_122 : memref<8000xi32, #tpu.memory_space<hbm>>) dst(%dma_wait3A_120 : memref<8000xi32, #tpu.memory_space<vmem>>)
      } else {
      }
      %mul3A_96 = arith.constant 8000 : i32
      %mul3A_97 = arith.muli %rem3A_82, %mul3A_96 : i32
      %parallel_loop3A = arith.constant 0 : i32
      %parallel_loop3A_98 = arith.constant 500 : i32
      %parallel_loop3A_99 = arith.constant 1 : i32
      scf.for %parallel_loop3A_100 = %parallel_loop3A to %parallel_loop3A_98 step %parallel_loop3A_99  : i32 {
        %parallel_loop3A_101 = arith.constant 16 : i32
        %parallel_loop3A_102 = arith.muli %parallel_loop3A_100, %parallel_loop3A_101 : i32
        %parallel_loop3A_103 = arith.addi %mul3A_97, %parallel_loop3A_102 : i32
        %parallel_loop3A_104 = arith.index_cast %parallel_loop3A_103 : i32 to index
        %parallel_loop3A_105 = tpu.vector_load %arg7[%parallel_loop3A_104] {strides = array<i32>} : memref<16000xf32, #tpu.memory_space<vmem>>, vector<16xf32>,
        %parallel_loop3A_106 = arith.index_cast %parallel_loop3A_103 : i32 to index
        %parallel_loop3A_107 = tpu.vector_load %arg8[%parallel_loop3A_106] {strides = array<i32>} : memref<16000xf32, #tpu.memory_space<vmem>>, vector<16xf32>,
        %parallel_loop3A_108 = arith.index_cast %parallel_loop3A_103 : i32 to index
        %parallel_loop3A_109 = tpu.vector_load %arg9[%parallel_loop3A_108] {strides = array<i32>} : memref<16000xi32, #tpu.memory_space<vmem>>, vector<16xi32>,
        %parallel_loop3A_110 = arith.sitofp %parallel_loop3A_109 : vector<16xi32> to vector<16xf32>
        %parallel_loop3A_111 = arith.subf %parallel_loop3A_105, %parallel_loop3A_107 : vector<16xf32>
        %parallel_loop3A_112 = arith.constant 0.000000e+00 : f32
        %parallel_loop3A_113 = vector.broadcast %parallel_loop3A_112 : f32 to vector<16xf32>
        %parallel_loop3A_114 = arith.subf %parallel_loop3A_113, %parallel_loop3A_111 : vector<16xf32>
        %parallel_loop3A_115 = arith.constant 0.000000e+00 : f32
        %parallel_loop3A_116 = vector.broadcast %parallel_loop3A_115 : f32 to vector<16xf32>
        %parallel_loop3A_117 = arith.maximumf %parallel_loop3A_114, %parallel_loop3A_116 : vector<16xf32>
        %parallel_loop3A_118 = arith.mulf %parallel_loop3A_110, %parallel_loop3A_117 : vector<16xf32>
        %parallel_loop3A_119 = arith.constant 2.000000e+00 : f32
        %parallel_loop3A_120 = vector.broadcast %parallel_loop3A_119 : f32 to vector<16xf32>
        %parallel_loop3A_121 = arith.mulf %parallel_loop3A_120, %parallel_loop3A_110 : vector<16xf32>
        %parallel_loop3A_122 = arith.constant 1.000000e+00 : f32
        %parallel_loop3A_123 = vector.broadcast %parallel_loop3A_122 : f32 to vector<16xf32>
        %parallel_loop3A_124 = arith.subf %parallel_loop3A_121, %parallel_loop3A_123 : vector<16xf32>
        %parallel_loop3A_125 = arith.mulf %parallel_loop3A_111, %parallel_loop3A_124 : vector<16xf32>
        %parallel_loop3A_126 = math.exp %parallel_loop3A_125 : vector<16xf32>
        %parallel_loop3A_127 = arith.constant 1.000000e+00 : f32
        %parallel_loop3A_128 = vector.broadcast %parallel_loop3A_127 : f32 to vector<16xf32>
        %parallel_loop3A_129 = arith.addf %parallel_loop3A_128, %parallel_loop3A_126 : vector<16xf32>
        %parallel_loop3A_130 = arith.constant 1.000000e+01 : f32
        %parallel_loop3A_131 = vector.broadcast %parallel_loop3A_130 : f32 to vector<16xf32>
        %parallel_loop3A_132 = arith.divf %parallel_loop3A_131, %parallel_loop3A_129 : vector<16xf32>
        %parallel_loop3A_133 = arith.fptosi %parallel_loop3A_132 : vector<16xf32> to vector<16xi32>
        %parallel_loop3A_134 = arith.constant 9 : i32
        %parallel_loop3A_135 = vector.broadcast %parallel_loop3A_134 : i32 to vector<16xi32>
        %parallel_loop3A_136 = arith.minsi %parallel_loop3A_133, %parallel_loop3A_135 : vector<16xi32>
        %parallel_loop3A_137 = arith.constant 16 : i32
        %parallel_loop3A_138 = vector.broadcast %parallel_loop3A_137 : i32 to vector<16xi32>
        %parallel_loop3A_139 = arith.muli %parallel_loop3A_136, %parallel_loop3A_138 : vector<16xi32>
        %parallel_loop3A_140 = arith.addi %parallel_loop3A_139, %iota3A : vector<16xi32>
        tpu.vector_store_idx %arg11[%parallel_loop3A_140], %parallel_loop3A_118 {add = true} : memref<160xf32, #tpu.memory_space<vmem>>[vector<16xi32>], vector<16xf32>,
        %parallel_loop3A_141 = arith.constant 1.000000e+01 : f32
        %parallel_loop3A_142 = vector.broadcast %parallel_loop3A_141 : f32 to vector<16xf32>
        %parallel_loop3A_143 = arith.cmpf olt, %parallel_loop3A_132, %parallel_loop3A_142 : vector<16xf32>
        tpu.vector_store_idx %arg10[%parallel_loop3A_140], %broadcast_in_dim3A_50 masked %parallel_loop3A_143 {add = true} : memref<160xf32, #tpu.memory_space<vmem>>[vector<16xi32>], vector<16xf32>, vector<16xi1>
      } {sc.loop_unroll_factor = 8 : i64, sc.parallel_access}
    }
    %mul3A_79 = arith.constant 160 : i32
    %mul3A_80 = arith.muli %add3A, %mul3A_79 : i32
    "tpu.region"() ({
      %run_scoped3A = tpu.sem_alloc : memref<!tpu.dma_semaphore, #tpu.memory_space<semaphore_mem>>
      %dma_start3A_81 = tpu.memref_slice %arg5[%mul3A_80] : memref<5120xf32, #tpu.memory_space<hbm>> -> memref<160xf32, #tpu.memory_space<hbm>>
      %dma_start3A_82 = tpu.memref_slice %arg5[%mul3A_80] : memref<5120xf32, #tpu.memory_space<hbm>> -> memref<160xf32, #tpu.memory_space<hbm>>
      tpu.enqueue_dma source(%arg10 : memref<160xf32, #tpu.memory_space<vmem>>) target(%dma_start3A_82 : memref<160xf32, #tpu.memory_space<hbm>>) target_semaphore(%run_scoped3A : memref<!tpu.dma_semaphore, #tpu.memory_space<semaphore_mem>>)
      %dma_wait3A = tpu.memref_slice %arg5[%mul3A_80] : memref<5120xf32, #tpu.memory_space<hbm>> -> memref<160xf32, #tpu.memory_space<hbm>>
      %dma_wait3A_83 = tpu.memref_slice %arg5[%mul3A_80] : memref<5120xf32, #tpu.memory_space<hbm>> -> memref<160xf32, #tpu.memory_space<hbm>>
      tpu.wait_dma2 semaphore(%run_scoped3A : memref<!tpu.dma_semaphore, #tpu.memory_space<semaphore_mem>>) src(%arg10 : memref<160xf32, #tpu.memory_space<vmem>>) dst(%dma_wait3A_83 : memref<160xf32, #tpu.memory_space<hbm>>)
      tpu.yield
    }) : () -> ()
    "tpu.region"() ({
      %run_scoped3A = tpu.sem_alloc : memref<!tpu.dma_semaphore, #tpu.memory_space<semaphore_mem>>
      %dma_start3A_81 = tpu.memref_slice %arg6[%mul3A_80] : memref<5120xf32, #tpu.memory_space<hbm>> -> memref<160xf32, #tpu.memory_space<hbm>>
      %dma_start3A_82 = tpu.memref_slice %arg6[%mul3A_80] : memref<5120xf32, #tpu.memory_space<hbm>> -> memref<160xf32, #tpu.memory_space<hbm>>
      tpu.enqueue_dma source(%arg11 : memref<160xf32, #tpu.memory_space<vmem>>) target(%dma_start3A_82 : memref<160xf32, #tpu.memory_space<hbm>>) target_semaphore(%run_scoped3A : memref<!tpu.dma_semaphore, #tpu.memory_space<semaphore_mem>>)
      %dma_wait3A = tpu.memref_slice %arg6[%mul3A_80] : memref<5120xf32, #tpu.memory_space<hbm>> -> memref<160xf32, #tpu.memory_space<hbm>>
      %dma_wait3A_83 = tpu.memref_slice %arg6[%mul3A_80] : memref<5120xf32, #tpu.memory_space<hbm>> -> memref<160xf32, #tpu.memory_space<hbm>>
      tpu.wait_dma2 semaphore(%run_scoped3A : memref<!tpu.dma_semaphore, #tpu.memory_space<semaphore_mem>>) src(%arg11 : memref<160xf32, #tpu.memory_space<vmem>>) dst(%dma_wait3A_83 : memref<160xf32, #tpu.memory_space<hbm>>)
      tpu.yield
    }) : () -> ()
    return
  }
}

module attributes {stable_mosaic.version = 14 : i64} {
  func.func @_fin_body(%arg0: memref<32x10x16xf32, #tpu.memory_space<vmem>>, %arg1: memref<32x10x16xf32, #tpu.memory_space<vmem>>, %arg2: memref<1x1xf32, #tpu.memory_space<vmem>>) attributes {dimension_semantics = [], scalar_prefetch = 0 : i64, scratch_operands = 0 : i64, tpu.core_type = #tpu.core_type<tc>} {
    %get3A = arith.constant 0 : index
    %get3A_0 = arith.constant 0 : index
    %get3A_1 = arith.constant 0 : index
    %get3A_2 = vector.load %arg0[%get3A, %get3A_0, %get3A_1] : memref<32x10x16xf32, #tpu.memory_space<vmem>>, vector<32x10x16xf32>
    %reduce_sum3A = arith.constant dense<0.000000e+00> : vector<10xf32>
    %reduce_sum3A_3 = vector.multi_reduction <add>, %get3A_2, %reduce_sum3A [0, 2] : vector<32x10x16xf32> to vector<10xf32>
    %get3A_4 = arith.constant 0 : index
    %get3A_5 = arith.constant 0 : index
    %get3A_6 = arith.constant 0 : index
    %get3A_7 = vector.load %arg1[%get3A_4, %get3A_5, %get3A_6] : memref<32x10x16xf32, #tpu.memory_space<vmem>>, vector<32x10x16xf32>
    %reduce_sum3A_8 = arith.constant dense<0.000000e+00> : vector<10xf32>
    %reduce_sum3A_9 = vector.multi_reduction <add>, %get3A_7, %reduce_sum3A_8 [0, 2] : vector<32x10x16xf32> to vector<10xf32>
    %max3A = arith.constant 1.000000e+00 : f32
    %max3A_10 = vector.broadcast %max3A : f32 to vector<10xf32>
    %max3A_11 = arith.maximumf %reduce_sum3A_3, %max3A_10 : vector<10xf32>
    %log3A = math.log %max3A_11 : vector<10xf32>
    %mul3A = arith.constant -7.500000e-01 : f32
    %mul3A_12 = vector.broadcast %mul3A : f32 to vector<10xf32>
    %mul3A_13 = arith.mulf %log3A, %mul3A_12 : vector<10xf32>
    %exp3A = math.exp %mul3A_13 : vector<10xf32>
    %mul3A_14 = arith.mulf %exp3A, %reduce_sum3A_9 : vector<10xf32>
    %reduce_sum3A_15 = vector.shape_cast %mul3A_14 : vector<10xf32> to vector<1x10xf32>
    %reduce_sum3A_16 = arith.constant dense<0.000000e+00> : vector<1xf32>
    %reduce_sum3A_17 = vector.multi_reduction <add>, %reduce_sum3A_15, %reduce_sum3A_16 [1] : vector<1x10xf32> to vector<1xf32>
    %reduce_sum3A_18 = vector.shape_cast %reduce_sum3A_17 : vector<1xf32> to vector<1x1xf32>
    %reduce_sum3A_19 = vector.extract %reduce_sum3A_18[0, 0] : f32 from vector<1x1xf32>
    %mul3A_20 = arith.constant 2.500000e-07 : f32
    %mul3A_21 = arith.mulf %reduce_sum3A_19, %mul3A_20 : f32
    %reshape3A = vector.broadcast %mul3A_21 : f32 to vector<1x1xf32>
    %swap3A = arith.constant 0 : index
    %swap3A_22 = arith.constant 0 : index
    %swap3A_23 = vector.load %arg2[%swap3A, %swap3A_22] : memref<1x1xf32, #tpu.memory_space<vmem>>, vector<1x1xf32>
    tpu.vector_store %arg2[%swap3A, %swap3A_22], %reshape3A {strides = array<i32>} : memref<1x1xf32, #tpu.memory_space<vmem>>, vector<1x1xf32>,
    return
  }
}

</mosaic_0001>

<sc_bundles>
// kernel: kernel.4.cloned.1.call-start
scs
__scs_entry_jumppad:
0x0: {  	(pc) =	sbr.rel $0x88, $3  }
0x1: {  	(tag) =	ssettag $0x0;
	lr =	simm.s32 $0x1  }
0x2: {  	[smem:$0x3F9E] =	sst lr;
	_ =	strace $0xD0000000  }
0x3: {  	_ = 	snop  }
0x4: {  	_ = 	snop  }
0x5: {  	_ = 	snop  }
0x6: {  	_ = 	snop  }
0x7: {  	_ = 	snop  }
__scs_overlays_trampoline_lowered:
0x8: {  	[smem:$0x3FAD] =	sst s0  }
0x9: {  	[smem:$0x3FAE] =	sst s1  }
0xa: {  	[smem:$0x3FAF] =	sst s2  }
0xb: {  	[smem:$0x3FB0] =	sst s3  }
0xc: {  	[smem:$0x3FB1] =	sst s4  }
0xd: {  	[smem:$0x3FB2] =	sst s5  }
0xe: {  	[smem:$0x3FB3] =	sst s6  }
0xf: {  	[smem:$0x3FB4] =	sst s7  }
0x10: {  	[smem:$0x3FB5] =	sst s8  }
0x11: {  	[smem:$0x3FB6] =	sst s9;
	s0 =	simm.s32 @!p0 $0x0  }
0x12: {  	s1 =	sld [smem:$0x3F9C];
	s0 =	simm.s32 @p0 $0x1  }
0x13: {  	[smem:$0x3FB7] =	sst s0;
	s0 =	simm.s32 @!p1 $0x0  }
0x14: {  	s2 =	sld [smem:$0x3F9B];
	s0 =	simm.s32 @p1 $0x1  }
0x15: {  	[smem:$0x3FB8] =	sst s0;
	s0 =	simm.s32 @!p2 $0x0  }
0x16: {  	s3 =	sld [smem:$0x3FDB];
	s0 =	simm.s32 @p2 $0x1  }
0x17: {  	s4 =	simm.s32 $0x1BF5;
	[smem:$0x3FBA] =	sst s0  }
0x18: {  	s0 =	sld [smem:$0x3F9D];
	_ =	swait.ge [sflag:s4], $0x0  }
0x19: {  	s7 =	sld [smem:$0x3F9E]  }
0x1a: {  	s8 =	sadd.s32 $0xFFFFE003, lr  }
0x1b: {  	s9 =	sadd.s32 $0xFFFFFEF7, lr;
	s5 =	simm.s32 $0xFFFFFFFF;
	p2 =	slt.u32 s8, $0xFFFFF086  }
0x1c: {  	p1 =	slt.u32 s9, $0xF7A;
	s5 =	simm.s32 @!p2 $0x0  }
0x1d: {  	s5 =	simm.s32 @p1 $0x1;
	p0 =	seq.s32 s7, s2  }
0x1e: {  	s7 =	smul.u32 @!p0 $0xF7A, s2;
	p2 =	seq.s32 @!p0 s5, $0x0  }
0x1f: {  	s9 =	smul.u32 $0xF7A, s1;
	s8 =	simm.s32 @!p0 $0x1BF5;
	p2 =	por !p2, p0  }
0x20: {  	[sflag:s8] =	ssyncset.s32 @!p0 $0xFFFFF086;
	s6 =	sadd.s32 @!p0 s3, s7;
	s7 =	simm.s32 @!p0 $0x108  }
0x21: {  	s3 =	sadd.s32 s3, s9;
	s6 =	sadd.s32 @!p0 $0x88, s6;
	s7 =	simm.s32 @p2 $0x1082  }
0x22: {  	[simem:s7], [sflag:s8] =	dma.local @!p0 [hbm:s6], $0xF7A  }
0x23: {  	s9 =	sor.u32 $0xD0000000, s2;
	s6 =	simm.s32 $0x108;
	_ =	swait.ge @!p0 [sflag:s8], $0x0  }
0x24: {  	s3 =	sadd.s32 $0x88, s3;
	s6 =	simm.s32 @!p1 $0x1082;
	[sflag:s4] =	ssyncset.s32 $0xFFFFF086  }
0x25: {  	[simem:s6], [sflag:s4] =	dma.local [hbm:s3], $0xF7A  }
0x26: {  	[smem:$0x3F9E] =	sst s1;
	(tag) =	ssettag s2;
	_ =	strace s9  }
0x27: {  	s1 =	sld [smem:$0x3FAE]  }
0x28: {  	s2 =	sld [smem:$0x3FAF]  }
0x29: {  	s4 =	sld [smem:$0x3FB1]  }
0x2a: {  	p0 =	seq.s32 s5, $0x0;
	s5 =	sld [smem:$0x3FB2]  }
0x2b: {  	s6 =	sld [smem:$0x3FB3]  }
0x2c: {  	s7 =	sld [smem:$0x3FB4]  }
0x2d: {  	s3 =	simm.s32 $0x108;
	s8 =	sld [smem:$0x3FB5]  }
0x2e: {  	s3 =	simm.s32 @!p0 $0x1082;
	s9 =	sld [smem:$0x3FB6]  }
0x2f: {  	lr =	sadd.s32 s0, s3;
	s0 =	sld [smem:$0x3FAD]  }
0x30: {  	s3 =	sld [smem:$0x3FB0]  }
0x31: {  	[smem:$0x3FB9] =	sst s10  }
0x32: {  	s10 =	sld [smem:$0x3FB7];
	_ =	sdelay $0x3  }
0x33: {  	p0 =	seq.s32 s10, $0x1;
	s10 =	sld [smem:$0x3FB9];
	_ =	sdelay $0x3  }
0x34: {  	[smem:$0x3FB9] =	sst s10  }
0x35: {  	s10 =	sld [smem:$0x3FB8];
	_ =	sdelay $0x3  }
0x36: {  	p1 =	seq.s32 s10, $0x1;
	s10 =	sld [smem:$0x3FB9];
	_ =	sdelay $0x3  }
0x37: {  	[smem:$0x3FB9] =	sst s10  }
0x38: {  	s10 =	sld [smem:$0x3FBA]  }
0x39: {  	_ = 	snop;
	(pc) =	sbr.ind lr, $3  }
0x3a: {  	_ = 	snop  }
0x3b: {  	_ = 	snop  }
0x3c: {  	p2 =	seq.s32 s10, $0x1;
	s10 =	sld [smem:$0x3FB9]  }
0x3d: {  	_ =	shalt  }
0x3e: {  	_ =	shalt  }
0x3f: {  	_ =	shalt  }
0x40: {  	_ =	shalt  }
0x41: {  	_ =	shalt  }
0x42: {  	_ =	shalt  }
0x43: {  	_ =	shalt  }
0x44: {  	_ =	shalt  }
0x45: {  	_ =	shalt  }
0x46: {  	_ =	shalt  }
0x47: {  	_ =	shalt  }
0x48: {  	_ =	shalt  }
0x49: {  	_ =	shalt  }
0x4a: {  	_ =	shalt  }
0x4b: {  	_ =	shalt  }
0x4c: {  	_ =	shalt  }
0x4d: {  	_ =	shalt  }
0x4e: {  	_ =	shalt  }
0x4f: {  	_ =	shalt  }
0x50: {  	_ =	shalt  }
0x51: {  	_ =	shalt  }
0x52: {  	_ =	shalt  }
0x53: {  	_ =	shalt  }
0x54: {  	_ =	shalt  }
0x55: {  	_ =	shalt  }
0x56: {  	_ =	shalt  }
0x57: {  	_ =	shalt  }
0x58: {  	_ =	shalt  }
0x59: {  	_ =	shalt  }
0x5a: {  	_ =	shalt  }
0x5b: {  	_ =	shalt  }
0x5c: {  	_ =	shalt  }
0x5d: {  	_ =	shalt  }
0x5e: {  	_ =	shalt  }
0x5f: {  	_ =	shalt  }
0x60: {  	_ =	shalt  }
0x61: {  	_ =	shalt  }
0x62: {  	_ =	shalt  }
0x63: {  	_ =	shalt  }
0x64: {  	_ =	shalt  }
0x65: {  	_ =	shalt  }
0x66: {  	_ =	shalt  }
0x67: {  	_ =	shalt  }
0x68: {  	_ =	shalt  }
0x69: {  	_ =	shalt  }
0x6a: {  	_ =	shalt  }
0x6b: {  	_ =	shalt  }
0x6c: {  	_ =	shalt  }
0x6d: {  	_ =	shalt  }
0x6e: {  	_ =	shalt  }
0x6f: {  	_ =	shalt  }
0x70: {  	_ =	shalt  }
0x71: {  	_ =	shalt  }
0x72: {  	_ =	shalt  }
0x73: {  	_ =	shalt  }
0x74: {  	_ =	shalt  }
0x75: {  	_ =	shalt  }
0x76: {  	_ =	shalt  }
0x77: {  	_ =	shalt  }
0x78: {  	_ =	shalt  }
0x79: {  	_ =	shalt  }
0x7a: {  	_ =	shalt  }
0x7b: {  	_ =	shalt  }
0x7c: {  	_ =	shalt  }
0x7d: {  	_ =	shalt  }
0x7e: {  	_ =	shalt  }
0x7f: {  	_ =	shalt  }
0x80: {  	_ =	shalt  }
0x81: {  	_ =	shalt  }
0x82: {  	_ =	shalt  }
0x83: {  	_ =	shalt  }
0x84: {  	_ =	shalt  }
0x85: {  	_ =	shalt  }
0x86: {  	_ =	shalt  }
0x87: {  	_ =	shalt  }
.Lfunc_end0:
.L_simem_size_0:
called_computation_lowered:
.L_overlay_start_0:
0x88: {  	s2 =	sld [smem:$0x3FD9]  }
0x89: {  	s3 =	sld [smem:$0x3FFE];
	_ =	sdelay $0x1  }
0x8a: {  	s1 =	srdreg.scid  }
0x8b: {  	s0 =	sand.u32 $0x1, s1  }
0x8c: {  	s17 =	sshll.u32 s0, $0xA;
	s2 =	sadd.s32 s3, s2  }
0x8d: {  	s2 =	sadd.s32 s2, s17  }
0x8e: {  	[smem:$0x3FC5] =	sst s2  }
0x8f: {  	_ = 	snop  }
0x90: {  	s2 =	sld [smem:$0x3FC9]  }
0x91: {  	s18 =	sld [smem:$0x3FC8]  }
0x92: {  	s4 =	sld [smem:$0x3FC7];
	(tm) =	ssettm $0x1  }
0x93: {  	s5 =	sld [smem:$0x3FFB];
	_ =	sdelay $0x3  }
0x94: {  	_ =	strace s5  }
0x95: {  	s5 =	sld [smem:$0x3FFC];
	_ =	sdelay $0x3  }
0x96: {  	_ =	strace s5  }
0x97: {  	s5 =	sld [smem:$0x3FFD];
	_ =	sdelay $0x3  }
0x98: {  	_ =	strace s5  }
0x99: {  	_ =	strace $0x8FFFFFFF  }
0x9a: {  	s19 =	sld [smem:$0x3FDB];
	_ =	sdelay $0x1  }
0x9b: {  	s6 =	simm.s32 $_scs_section_size  }
0x9c: {  	s7 =	simm.s32 $_size__tile_overlayer_lowered;
	s8 =	simm.s32 $_tile_overlayer_lowered  }
0x9d: {  	s22 =	simm.s32 $0x1BFF;
	s21 =	sshll.u32 s8, $0x1;
	s5 =	sadd.s32 s6, s19  }
0x9e: {  	s9 =	simm.s32 $0x0;
	s20 =	sshll.u32 s7, $0x1;
	s7 =	sadd.s32 s21, s5  }
0x9f: {  	[timem:s9], [sflag:s22] =	dma.local [hbm:s7], s20  }
0xa0: {  	_ =	swait.ge [sflag:s22], s20  }
0xa1: {  	s6 =	ssub.s32 $0x0, s20;
	[sflag:s22] =	ssyncset.done $0x0  }
0xa2: {  	[sflag:s22] =	ssyncadd.s32 s6;
	_ =	sdelay $0x1  }
0xa3: {  	s23 =	simm.s32 $0x1B8B  }
0xa4: {  	_ =	swait.ge [sflag:s23], $0x1  }
0xa5: {  	[sflag:s23] =	ssyncset.done $0x0  }
0xa6: {  	s25 =	simm.s32 $0x1B8E;
	s24 =	sld [smem:$0x3FFE];
	[sflag:s23] =	ssyncadd.s32 $0xFFFFFFFF  }
0xa7: {  	s26 =	simm.s32 $execute0_lowered;
	[smem:$0x3FD2] =	sst s25  }
0xa8: {  	s7 =	sshll.u32 s26, $0x1;
	_ =	strace $0x80000046;
	[dreg:$0x1] =	wrdreg $0xFFFFFFFF  }
0xa9: {  	s28 =	simm.s32 $_size_execute0_lowered;
	s5 =	sadd.s32 s5, s7;
	[dreg:$0x0] =	wrdreg $0x0  }
0xaa: {  	s7 =	sshll.u32 s28, $0x1;
	[dreg:$0x2] =	wrdreg s5  }
0xab: {  	[dreg:$0x3] =	wrdreg s7  }
0xac: {  	[dreg:$0x4] =	wrdreg $0xC0  }
0xad: {  	_ =	task [dreg:s9], $0x5FFFF  }
0xae: {  	[dreg:$0x1] =	wrdreg $0xFFFFFFFF  }
0xaf: {  	[dreg:$0x0] =	wrdreg $0x60  }
0xb0: {  	[dreg:$0x2] =	wrdreg s2  }
0xb1: {  	[dreg:$0x3] =	wrdreg s18  }
0xb2: {  	[dreg:$0x4] =	wrdreg s4  }
0xb3: {  	[dreg:$0x5] =	wrdreg s24  }
0xb4: {  	[dreg:$0x6] =	wrdreg $0x9  }
0xb5: {  	_ =	task.clear_ibuf [dreg:s9], $0x7FFFF;
	_ =	strace $0x90000046  }
0xb6: {  	s29 =	simm.s32 $0x9;
	_ =	strace $0x80000048  }
0xb7: {  	_ =	swait.ge [sflag:s29], $0x1  }
0xb8: {  	[sflag:s29] =	ssyncadd.s32 $0xFFFFFFFF  }
0xb9: {  	_ =	strace $0x90000048  }
0xba: {  	_ =	sfence  }
0xbb: {  	s30 =	sld [smem:$0x0];
	_ =	sdelay $0x2  }
0xbc: {  	s31 =	sshll.u32 s1, $0xD;
	s1 =	sshrl.u32 s1, $0x2  }
0xbd: {  	s3 =	sand.u32 $0x4000, s31;
	s1 =	sadd.s32 s1, s30  }
0xbe: {  	s0 =	sor.u32 s3, s0;
	s1 =	sshll.u32 s1, $0x11  }
0xbf: {  	s0 =	sor.u32 s1, s0  }
0xc0: {  	s0 =	sadd.s32 $0x8F2B, s0  }
0xc1: {  	[sflag:s0] =	ssyncadd.remote.s32 $0x1  }
0xc2: {  	_ =	sfence.sel $0xFFFF  }
0xc3: {  	[dreg:$0x0] =	wrdreg $0xFFFFFFFF;
	(pc) =	sbr.abs _section_cstart, $3  }
0xc4: {  	[dreg:$0x1] =	wrdreg $0xFFFFFFFF  }
0xc5: {  	_ =	task.clear_ibuf [dreg:s9], $0x2FFFF;
	_ =	strace $0x9FFFFFFF  }
0xc6: {  	(tm) =	ssettm $0x7FFFFFFF  }
0xc7: {  	_ =	shalt  }
tec
execute0_lowered:
.L_overlay_start_1:
0x0: {  	(tag) =	ssettag $0x1  }
0x1: {  	s1 =	rddreg [dreg:$0x0]  }
0x2: {  	s2 =	rddreg [dreg:$0x1];
	s0 =	srdreg.scid  }
0x3: {  	s9 =	stileid.u32;
	s4 =	rddreg [dreg:$0x2]  }
0x4: {  	s7 =	rddreg [dreg:$0x3];
	s5 =	simm.s32 $0x0;
	s14 =	simm.s32 $0x3E80  }
0x5: {  	s15 =	simm.s32 $0x7D00;
	s16 =	simm.s32 $0x1;
	s17 =	simm.s32 $0x1F40  }
0x6: {  	s18 =	simm.s32 $0x5DC0;
	s19 =	simm.s32 $0x9C40;
	s20 =	simm.s32 $0x2  }
0x7: {  	s21 =	simm.s32 $0xBC80;
	s0 =	sand.u32 $0x1, s0;
	s3 =	sshll.u32 s9, $0x1  }
0x8: {  	s22 =	simm.s32 $0xBB80;
	s23 =	simm.s32 $0x3;
	s3 =	sor.u32 s0, s3  }
0x9: {  	s24 =	simm.s32 $0x0;
	[smem:$0x7FF] =	sst s5;
	s6 =	smul.u32 $0xF, s3  }
0xa: {  	p0 =	slt.u32 s9, $0xA;
	s0 =	ssub.s32 $0x2, s0;
	s8 =	smul.u32 $0x14, s3  }
0xb: {  	_ =	strace $0x80000047;
	s3 =	smin.u32 s3, $0x14;
	s31 =	sshrl.u32 s0, $0x1  }
0xc: {  	s0 =	ssub.s32 s0, s31;
	s6 =	sadd.s32 s3, s6;
	s30 =	sadd.s32 s8, s7  }
0xd: {  	s7 =	simm.s32 $0x10;
	s13 =	smax.u32 s0, $0x1;
	s10 =	smul.u32 $0x3E8, s6  }
0xe: {  	s7 =	simm.s32 @!p0 $0xF;
	s11 =	sadd.s32 $0x800, s30;
	s12 =	sadd.s32 $0xC00, s30  }
0xf: {  	v0 =	vimm.f32 $0.0e+00;
	v1 =	vimm.f32 $1.000000000e+00;
	v2 =	vlaneseq.u32;
	s8 =	sadd.s32 s1, s10;
	s9 =	sadd.s32 s2, s10;
	s10 =	sadd.s32 s4, s10  }
.LBB2_1:
0x10: {  	[tilespmem:$0xBB80] =	vst v0  }
0x11: {  	[tilespmem:$0xBC80] =	vst v0  }
0x12: {  	[tilespmem:$0xBB90] =	vst v0  }
0x13: {  	[tilespmem:$0xBC90] =	vst v0  }
0x14: {  	[tilespmem:$0xBBA0] =	vst v0  }
0x15: {  	[tilespmem:$0xBCA0] =	vst v0  }
0x16: {  	[tilespmem:$0xBBB0] =	vst v0  }
0x17: {  	[tilespmem:$0xBCB0] =	vst v0  }
0x18: {  	[tilespmem:$0xBBC0] =	vst v0  }
0x19: {  	[tilespmem:$0xBCC0] =	vst v0  }
0x1a: {  	[tilespmem:$0xBBD0] =	vst v0  }
0x1b: {  	[tilespmem:$0xBCD0] =	vst v0  }
0x1c: {  	[tilespmem:$0xBBE0] =	vst v0  }
0x1d: {  	[tilespmem:$0xBCE0] =	vst v0  }
0x1e: {  	[tilespmem:$0xBBF0] =	vst v0  }
0x1f: {  	[tilespmem:$0xBCF0] =	vst v0  }
0x20: {  	[tilespmem:$0xBC00] =	vst v0  }
0x21: {  	[tilespmem:$0xBD00] =	vst v0  }
0x22: {  	[tilespmem:$0xBC10] =	vst v0  }
0x23: {  	[tilespmem:$0xBD10] =	vst v0  }
0x24: {  	[tilespmem:s5], [sflag:$0x1] =	stream.linear.gather [hbm4b:s8+s5], $0x1F40, $0x38;
	[tilespmem:$0xBD80] =	vst v63  }
0x25: {  	_ = 	snop  }
0x26: {  	[tilespmem:s14], [sflag:$0x1] =	stream.linear.gather [hbm4b:s9+s5], $0x1F40, $0x38;
	[tilespmem:$0xBD80] =	vst v63  }
0x27: {  	p0 =	por $0x0, $0x0;
	s3 =	simm.s32 $0x0  }
0x28: {  	[tilespmem:s15], [sflag:$0x1] =	stream.linear.gather [hbm4b:s10+s5], $0x1F40, $0x38;
	[tilespmem:$0xBD80] =	vst v63  }
.LBB2_3:
0x29: {  	s25 =	sadd.s32 $0x1, s3  }
0x2a: {  	p2 =	sge.u32 s25, s7  }
.Ltmp0:
0x2b: {  	_ = 	snop;
	(pc) =	sbr.rel @p2 .LBB2_7-.Ltmp0, $3  }
0x2c: {  	_ =	sdelay $0x1  }
0x2d: {  	s0 =	sand.u32 $0x1, s3  }
0x2e: {  	p1 =	seq.s32 s0, $0x1  }
0x2f: {  	s3 =	sadd.s32 s6, s3  }
0x30: {  	s3 =	smul.u32 $0x1F40, s3  }
.Ltmp1:
0x31: {  	_ = 	snop;
	(pc) =	sbr.rel @!p1 .LBB2_5-.Ltmp1, $4  }
0x32: {  	_ = 	snop  }
0x33: {  	s3 =	sshrl.u32 s3, $0x3  }
0x34: {  	s3 =	sadd.s32 $0x3E8, s3  }
0x35: {  	s28 =	sadd.s32 s1, s3;
	s26 =	sadd.s32 s2, s3;
	s3 =	sadd.s32 s4, s3  }
0x36: {  	[tilespmem:s5], [sflag:$0x1] =	stream.linear.gather [hbm4b:s28+s5], $0x1F40, $0x38;
	[tilespmem:$0xBD80] =	vst v63  }
.Ltmp2:
0x37: {  	_ = 	snop;
	(pc) =	sbr.rel .LBB2_9-.Ltmp2, $4  }
0x38: {  	_ = 	snop  }
0x39: {  	[tilespmem:s14], [sflag:$0x1] =	stream.linear.gather [hbm4b:s26+s5], $0x1F40, $0x38;
	[tilespmem:$0xBD80] =	vst v63  }
0x3a: {  	_ = 	snop  }
0x3b: {  	[tilespmem:s15], [sflag:$0x1] =	stream.linear.gather [hbm4b:s3+s5], $0x1F40, $0x38;
	[tilespmem:$0xBD80] =	vst v63  }
.LBB2_7:
.Ltmp3:
0x3c: {  	(pc) =	sbr.rel @p1 .LBB2_9-.Ltmp3, $4  }
.Ltmp4:
0x3d: {  	(pc) =	sbr.rel @!p1 .LBB2_8-.Ltmp4, $4  }
0x3e: {  	_ = 	snop  }
0x3f: {  	_ = 	snop  }
0x40: {  	_ = 	snop  }
0x41: {  	_ = 	snop  }
.LBB2_5:
0x42: {  	[tilespmem:s17], [sflag:$0x2] =	stream.linear.gather [hbm4b:s28+s5], $0x1F40, $0x38;
	[tilespmem:$0xBD80] =	vst v63  }
0x43: {  	_ = 	snop  }
0x44: {  	[tilespmem:s18], [sflag:$0x2] =	stream.linear.gather [hbm4b:s26+s5], $0x1F40, $0x38;
	[tilespmem:$0xBD80] =	vst v63  }
0x45: {  	_ = 	snop  }
0x46: {  	[tilespmem:s19], [sflag:$0x2] =	stream.linear.gather [hbm4b:s3+s5], $0x1F40, $0x38;
	[tilespmem:$0xBD80] =	vst v63  }
.LBB2_8:
0x47: {  	_ =	swait.ge [sflag:s16], $0x1F40  }
0x48: {  	[sflag:s16] =	ssyncset.done $0x0  }
0x49: {  	[sflag:s16] =	ssyncadd.s32 $0xFFFFE0C0  }
0x4a: {  	p1 =	seq.s32 s0, $0x0;
	_ =	swait.ge [sflag:s16], $0x1F40  }
.Ltmp5:
0x4b: {  	[sflag:s16] =	ssyncset.done $0x0;
	(pc) =	sbr.rel @p1 .LBB2_10-.Ltmp5, $4  }
0x4c: {  	[sflag:s16] =	ssyncadd.s32 $0xFFFFE0C0  }
0x4d: {  	_ =	swait.ge [sflag:s16], $0x1F40  }
0x4e: {  	[sflag:s16] =	ssyncset.done $0x0  }
0x4f: {  	[sflag:s16] =	ssyncadd.s32 $0xFFFFE0C0  }
.LBB2_9:
0x50: {  	_ =	swait.ge [sflag:s20], $0x1F40  }
0x51: {  	[sflag:s20] =	ssyncset.done $0x0  }
0x52: {  	[sflag:s20] =	ssyncadd.s32 $0xFFFFE0C0  }
0x53: {  	_ =	swait.ge [sflag:s20], $0x1F40  }
0x54: {  	[sflag:s20] =	ssyncset.done $0x0  }
0x55: {  	[sflag:s20] =	ssyncadd.s32 $0xFFFFE0C0  }
0x56: {  	_ =	swait.ge [sflag:s20], $0x1F40  }
0x57: {  	[sflag:s20] =	ssyncset.done $0x0  }
0x58: {  	[sflag:s20] =	ssyncadd.s32 $0xFFFFE0C0  }
.LBB2_10:
0x59: {  	s0 =	simm.s32 $0x1  }
0x5a: {  	s0 =	simm.s32 @!p0 $0x0  }
0x5b: {  	s3 =	smul.u32 $0x7D00, s0;
	_ =	sdelay $0x1  }
0x5c: {  	s29 =	sshrl.u32 s3, $0x2  }
0x5d: {  	s26 =	sand.u32 $0x7E00, s3;
	s3 =	sadd.s32 $0x7D40, s29  }
0x5e: {  	v3 =	vmov s3  }
0x5f: {  	s0 =	sshll.u32 s0, $0x8  }
0x60: {  	s0 =	sor.u32 s0, s26  }
0x61: {  	s0 =	sshrl.u32 s0, $0x2;
	s3 =	sadd.s32 $0x40, s29  }
0x62: {  	s26 =	sadd.s32 $0x7D00, s0;
	v5 =	vmov s3;
	s3 =	simm.s32 $0x0  }
0x63: {  	v4 =	vmov s26;
	s26 =	sadd.s32 $0x3EC0, s29;
	v8 =	vld.idx.msk [tilespmem:v3+s3+$0x30 ss:$0x1], $0xffff  }
0x64: {  	v6 =	vmov s26;
	v11 =	vld.idx.msk [tilespmem:v3+s3+$0xFFFFFFD0 ss:$0x1], $0xffff  }
0x65: {  	v14 =	vld.idx.msk [tilespmem:v3+s3+$0xFFFFFFE0 ss:$0x1], $0xffff  }
0x66: {  	v15 =	vld.idx.msk [tilespmem:v3+s3+$0xFFFFFFF0 ss:$0x1], $0xffff  }
0x67: {  	v16 =	vld.idx.msk [tilespmem:v3+s3+$0x0 ss:$0x1], $0xffff  }
0x68: {  	v12 =	vld.idx.msk [tilespmem:v5+s3+$0x30 ss:$0x1], $0xffff  }
0x69: {  	v13 =	vld.idx.msk [tilespmem:v6+s3+$0x30 ss:$0x1], $0xffff  }
0x6a: {  	v18 =	vld.idx.msk [tilespmem:v3+s3+$0x10 ss:$0x1], $0xffff;
	v10 =	vcvt.s32.f32 v8  }
0x6b: {  	v19 =	vld.idx.msk [tilespmem:v3+s3+$0x20 ss:$0x1], $0xffff  }
0x6c: {  	v7 =	vmov s0;
	s26 =	sadd.s32 $0x3E80, s0;
	v21 =	vld.idx.msk [tilespmem:v5+s3+$0xFFFFFFD0 ss:$0x1], $0xffff;
	v17 =	vadd.f32 v10, v10  }
0x6d: {  	v25 =	vld.idx.msk [tilespmem:v5+s3+$0xFFFFFFE0 ss:$0x1], $0xffff;
	v8 =	vmov s26  }
0x6e: {  	v9 =	vld.idx.msk [tilespmem:v4+s3+$0x0 ss:$0x1], $0xffff;
	v12 =	vsub.f32 v12, v13;
	v13 =	vadd.f32 $-1.000000000e+00, v17  }
0x6f: {  	v41 =	vld.idx.msk [tilespmem:v5+s3+$0xFFFFFFF0 ss:$0x1], $0xffff  }
0x70: {  	v31 =	vld.idx.msk [tilespmem:v5+s3+$0x10 ss:$0x1], $0xffff;
	v13 =	vmul.f32 v13, v12  }
0x71: {  	v17 =	vld.idx.msk [tilespmem:v7+s3+$0x0 ss:$0x1], $0xffff  }
0x72: {  	v20 =	vld.idx.msk [tilespmem:v8+s3+$0x0 ss:$0x1], $0xffff;
	v13 =	vmul.f32 $1.442695020e+00, v13  }
0x73: {  	v22 =	vld.idx.msk [tilespmem:v6+s3+$0xFFFFFFD0 ss:$0x1], $0xffff;
	v11 =	vcvt.s32.f32 v11;
	v9 =	vcvt.s32.f32 v9  }
0x74: {  	v26 =	vld.idx.msk [tilespmem:v6+s3+$0xFFFFFFE0 ss:$0x1], $0xffff;
	v14 =	vcvt.s32.f32 v14;
	(erf) = vpow2.f32 v13  }
0x75: {  	v28 =	vld.idx.msk [tilespmem:v6+s3+$0xFFFFFFF0 ss:$0x1], $0xffff;
	v23 =	vadd.f32 v9, v9  }
0x76: {  	v33 =	vld.idx.msk [tilespmem:v6+s3+$0x10 ss:$0x1], $0xffff;
	v15 =	vcvt.s32.f32 v15;
	s26 =	simm.s32 $0x80;
	v24 =	vadd.f32 v11, v11;
	v27 =	vadd.f32 v14, v14  }
0x77: {  	v29 =	vcvt.s32.f32 v16;
	v54 =	vld.idx.msk [tilespmem:v3+s26+$0xFFFFFFE0 ss:$0x1], $0xffff;
	v13 =	vadd.f32 $-1.000000000e+00, v23;
	v17 =	vsub.f32 v17, v20  }
0x78: {  	v19 =	vcvt.s32.f32 v19;
	v16 =	vadd.f32 v15, v15;
	v21 =	vsub.f32 v21, v22;
	v22 =	vld.idx.msk [tilespmem:v6+s3+$0x0 ss:$0x1], $0xffff  }
0x79: {  	v30 =	vadd.f32 v29, v29;
	v23 =	vadd.f32 $-1.000000000e+00, v24;
	v20 =	vld.idx.msk [tilespmem:v5+s3+$0x0 ss:$0x1], $0xffff;
	v13 =	vmul.f32 v13, v17  }
0x7a: {  	v42 =	vld.idx.msk [tilespmem:v5+s3+$0x20 ss:$0x1], $0xffff;
	v18 =	vcvt.s32.f32 v18;
	v25 =	vsub.f32 v25, v26;
	v27 =	vadd.f32 $-1.000000000e+00, v27  }
0x7b: {  	v35 =	vld.idx.msk [tilespmem:v6+s3+$0x20 ss:$0x1], $0xffff;
	v34 =	vadd.f32 v19, v19;
	v23 =	vmul.f32 v23, v21;
	v13 =	vmul.f32 $1.442695020e+00, v13  }
0x7c: {  	v36 =	vld.idx.msk [tilespmem:v3+s26+$0x0 ss:$0x1], $0xffff;
	v45 =	vsub.f32 v31, v33;
	v16 =	vadd.f32 $-1.000000000e+00, v16;
	v27 =	vmul.f32 v27, v25  }
0x7d: {  	v24 =	vsub.f32 v41, v28;
	v23 =	vmul.f32 $1.442695020e+00, v23;
	(erf) = vpow2.f32 v13;
	v43 =	vpop (erf)  }
0x7e: {  	v33 =	vcvt.s32.f32 v54;
	v20 =	vsub.f32 v20, v22;
	v22 =	vadd.f32 $1.000000000e+00, v43  }
0x7f: {  	v57 =	vld.idx.msk [tilespmem:v3+s26+$0x10 ss:$0x1], $0xffff;
	v32 =	vadd.f32 v18, v18;
	v16 =	vmul.f32 v16, v24;
	(erf) = vpow2.f32 v23  }
0x80: {  	v23 =	vadd.f32 $-1.000000000e+00, v34;
	(erf) = vrcp.f32 v22;
	v22 =	vsub.f32 v42, v35  }
0x81: {  	v30 =	vadd.f32 $-1.000000000e+00, v30;
	v36 =	vcvt.s32.f32 v36;
	v27 =	vmul.f32 $1.442695020e+00, v27  }
0x82: {  	v56 =	vld.idx.msk [tilespmem:v3+s26+$0xFFFFFFF0 ss:$0x1], $0xffff;
	v16 =	vmul.f32 $1.442695020e+00, v16;
	v13 =	vadd.f32 $-1.000000000e+00, v32;
	v23 =	vmul.f32 v23, v22  }
0x83: {  	v49 =	vxor.u32 $0x80000000, v45;
	v44 =	vmul.f32 v30, v20;
	(erf) = vpow2.f32 v27  }
0x84: {  	v40 =	vld.idx.msk [tilespmem:v7+s26+$0x0 ss:$0x1], $0xffff;
	v20 =	vxor.u32 $0x80000000, v20;
	v34 =	vcvt.s32.f32 v57;
	v13 =	vmul.f32 v13, v45  }
0x85: {  	v51 =	vmax.f32 v20, $0.0e+00;
	v46 =	vmul.f32 $1.442695020e+00, v44;
	v42 =	vld.idx.msk [tilespmem:v8+s26+$0x0 ss:$0x1], $0xffff;
	(erf) = vpow2.f32 v16  }
0x86: {  	v16 =	vxor.u32 $0x80000000, v17;
	v17 =	vxor.u32 $0x80000000, v21;
	v21 =	vmul.f32 $1.442695020e+00, v23;
	v23 =	vpop (erf)  }
0x87: {  	v13 =	vmul.f32 $1.442695020e+00, v13;
	v35 =	vcvt.s32.f32 v56;
	v23 =	vadd.f32 $1.000000000e+00, v23  }
0x88: {  	v61 =	vadd.f32 v34, v34;
	v22 =	vxor.u32 $0x80000000, v22;
	(erf) = vpow2.f32 v46  }
0x89: {  	v59 =	vadd.f32 v35, v35;
	v16 =	vmax.f32 v16, $0.0e+00;
	(erf) = vpow2.f32 v13  }
0x8a: {  	v16 =	vmul.f32 v9, v16;
	v40 =	vsub.f32 v40, v42;
	v47 =	vpop (erf);
	(erf) = vpow2.f32 v21  }
0x8b: {  	v13 =	vmax.f32 v17, $0.0e+00;
	v48 =	vadd.f32 $1.000000000e+00, v47;
	(erf) = vrcp.f32 v23;
	v23 =	vpop (erf)  }
0x8c: {  	v17 =	vxor.u32 $0x80000000, v25;
	v25 =	vmax.f32 v49, $0.0e+00;
	v21 =	vxor.u32 $0x80000000, v24;
	v50 =	vpop (erf)  }
0x8d: {  	v17 =	vmax.f32 v17, $0.0e+00;
	(erf) = vrcp.f32 v48;
	v9 =	vadd.f32 $1.000000000e+00, v50  }
0x8e: {  	v24 =	vmul.f32 v11, v13;
	v21 =	vmax.f32 v21, $0.0e+00;
	v20 =	vmul.f32 v14, v17  }
0x8f: {  	v21 =	vmul.f32 v15, v21;
	v15 =	vmax.f32 v22, $0.0e+00;
	v11 =	vmul.f32 $1.000000000e+01, v23  }
0x90: {  	v42 =	vadd.f32 $-1.000000000e+00, v59;
	v22 =	vmul.f32 v18, v25;
	v19 =	vmul.f32 v19, v15;
	v13 =	vpop (erf)  }
0x91: {  	v13 =	vadd.f32 $1.000000000e+00, v13;
	v14 =	vtrunc.f32 v11;
	(erf) = vrcp.f32 v9;
	v9 =	vpop (erf)  }
0x92: {  	v46 =	vld.idx.msk [tilespmem:v5+s26+$0xFFFFFFE0 ss:$0x1], $0xffff;
	v48 =	vadd.f32 v33, v33;
	v14 =	vcvt.f32.s32 v14;
	v9 =	vadd.f32 $1.000000000e+00, v9;
	v17 =	vpop (erf)  }
0x93: {  	v49 =	vld.idx.msk [tilespmem:v5+s26+$0xFFFFFFF0 ss:$0x1], $0xffff;
	v23 =	vmul.f32 v29, v51;
	(erf) = vrcp.f32 v13;
	v13 =	vadd.f32 $1.000000000e+00, v17;
	v17 =	vpop (erf)  }
0x94: {  	v47 =	vld.idx.msk [tilespmem:v6+s26+$0xFFFFFFE0 ss:$0x1], $0xffff;
	vm0 =	vlt.s32 v14, $0x9;
	(erf) = vrcp.f32 v9;
	v9 =	vadd.f32 $1.000000000e+00, v17;
	v17 =	vpop (erf)  }
0x95: {  	v18 =	vld.idx.msk [tilespmem:v3+s26+$0xFFFFFFD0 ss:$0x1], $0xffff;
	v14 =	vnsel vm0, $0x9, v14;
	(erf) = vrcp.f32 v13;
	v13 =	vmul.f32 $1.000000000e+01, v17  }
0x96: {  	v51 =	vadd.f32 v36, v36;
	v50 =	vld.idx.msk [tilespmem:v6+s26+$0xFFFFFFF0 ss:$0x1], $0xffff;
	v14 =	vshll.u32 v14, $0x4;
	v15 =	vpop (erf);
	(erf) = vrcp.f32 v9  }
0x97: {  	v9 =	vor.u32 v2, v14;
	v14 =	vmul.f32 $1.000000000e+01, v15;
	v15 =	vtrunc.f32 v13  }
0x98: {  	vm2 =	vlt.f32 v11, $1.000000000e+01;
	v11 =	vxor.u32 $0x80000000, v12;
	v12 =	vcvt.f32.s32 v15  }
0x99: {  	v48 =	vadd.f32 $-1.000000000e+00, v48;
	v46 =	vsub.f32 v46, v47  }
0x9a: {  	v18 =	vcvt.s32.f32 v18;
	v51 =	vadd.f32 $-1.000000000e+00, v51;
	v11 =	vmax.f32 v11, $0.0e+00;
	v17 =	vld.idx.msk [tilespmem:v3+s26+$0x30 ss:$0x1], $0xffff  }
0x9b: {  	v57 =	vmul.f32 v48, v46;
	v49 =	vsub.f32 v49, v50;
	v15 =	vpop (erf);
	vm3 =	vlt.s32 v12, $0x9  }
0x9c: {  	v46 =	vxor.u32 $0x80000000, v46;
	v11 =	vmul.f32 v10, v11;
	v10 =	vnsel vm3, $0x9, v12;
	v12 =	vpop (erf)  }
0x9d: {  	v52 =	vld.idx.msk [tilespmem:v5+s26+$0x30 ss:$0x1], $0xffff;
	v45 =	vadd.f32 v18, v18;
	v42 =	vmul.f32 v42, v49;
	v29 =	vmul.f32 $1.000000000e+01, v12;
	v12 =	vpop (erf)  }
0x9e: {  	vm1 =	vlt.f32 v13, $1.000000000e+01;
	v13 =	vtrunc.f32 v14;
	v27 =	vmul.f32 $1.000000000e+01, v12;
	v12 =	vld.idx.msk [tilespmem:v6+s26+$0x30 ss:$0x1], $0xffff  }
0x9f: {  	v46 =	vmax.f32 v46, $0.0e+00;
	v13 =	vcvt.f32.s32 v13;
	v30 =	vcvt.s32.f32 v17  }
0xa0: {  	v47 =	vmul.f32 $1.442695020e+00, v57;
	v45 =	vadd.f32 $-1.000000000e+00, v45;
	v42 =	vmul.f32 $1.442695020e+00, v42;
	v17 =	vld.idx.msk [tilespmem:v3+s26+$0x20 ss:$0x1], $0xffff  }
0xa1: {  	v28 =	vmul.f32 $1.000000000e+01, v15;
	v15 =	vld.idx.msk [tilespmem:v4+s26+$0x0 ss:$0x1], $0xffff;
	vm3 =	vlt.s32 v13, $0x9;
	v41 =	vadd.f32 v30, v30  }
0xa2: {  	vm0 =	vlt.f32 v14, $1.000000000e+01;
	v13 =	vnsel vm3, $0x9, v13;
	v32 =	vshll.u32 v10, $0x4  }
0xa3: {  	v14 =	vtrunc.f32 v28;
	v31 =	vsub.f32 v52, v12;
	v12 =	vadd.f32 $-1.000000000e+00, v41  }
0xa4: {  	v53 =	vcvt.f32.s32 v14;
	v10 =	vpop (erf);
	v14 =	vshll.u32 v13, $0x4;
	v13 =	vtrunc.f32 v29  }
0xa5: {  	v49 =	vxor.u32 $0x80000000, v49;
	v25 =	vmul.f32 $1.000000000e+01, v10;
	v12 =	vmul.f32 v12, v31  }
0xa6: {  	v58 =	vld.idx.msk [tilespmem:v6+s26+$0xFFFFFFD0 ss:$0x1], $0xffff;
	v32 =	vor.u32 v2, v32;
	v17 =	vcvt.s32.f32 v17;
	v15 =	vcvt.s32.f32 v15  }
0xa7: {  	v44 =	vld.idx.msk [tilespmem:v5+s26+$0xFFFFFFD0 ss:$0x1], $0xffff;
	v10 =	vpop (erf);
	vm3 =	vlt.s32 v53, $0x9;
	v55 =	vtrunc.f32 v27;
	v12 =	vmul.f32 $1.442695020e+00, v12  }
0xa8: {  	v26 =	vmul.f32 $1.000000000e+01, v10;
	v13 =	vcvt.f32.s32 v13;
	v43 =	vadd.f32 v15, v15  }
0xa9: {  	v60 =	vld.idx.msk [tilespmem:v5+s26+$0x0 ss:$0x1], $0xffff;
	v10 =	vnsel vm3, $0x9, v53;
	v37 =	vtrunc.f32 v25;
	(erf) = vpow2.f32 v12  }
0xaa: {  	v62 =	vld.idx.msk [tilespmem:v6+s26+$0x0 ss:$0x1], $0xffff;
	v38 =	vshll.u32 v10, $0x4;
	v10 =	vcvt.f32.s32 v55;
	v43 =	vadd.f32 $-1.000000000e+00, v43  }
0xab: {  	v63 =	vld.idx.msk [tilespmem:v5+s26+$0x10 ss:$0x1], $0xffff;
	v39 =	vtrunc.f32 v26;
	vm3 =	vlt.s32 v13, $0x9;
	v37 =	vcvt.f32.s32 v37  }
0xac: {  	v56 =	vld.idx.msk [tilespmem:v6+s26+$0x20 ss:$0x1], $0xffff;
	v39 =	vcvt.f32.s32 v39;
	v41 =	vsub.f32 v44, v58;
	v12 =	vmul.f32 v43, v40  }
0xad: {  	v55 =	vld.idx.msk [tilespmem:v5+s26+$0x20 ss:$0x1], $0xffff;
	v13 =	vnsel vm3, $0x9, v13;
	v52 =	vadd.f32 v17, v17;
	v44 =	vadd.f32 $-1.000000000e+00, v61  }
0xae: {  	[tilespmem:v32+s21+$0x0] =	vst.idx.add.f32.msk $0xffff, v16;
	v61 =	vmax.f32 v49, $0.0e+00;
	v49 =	vor.u32 v2, v38;
	v12 =	vmul.f32 $1.442695020e+00, v12  }
0xaf: {  	[tilespmem:v32+s22+$0x0] =	vst.idx.add.f32.msk vm1, v1;
	vm1 =	vlt.f32 v28, $1.000000000e+01;
	vm4 =	vlt.s32 v10, $0x9;
	v45 =	vmul.f32 v45, v41  }
0xb0: {  	vm5 =	vlt.s32 v37, $0x9;
	v53 =	vshll.u32 v13, $0x4;
	(erf) = vpow2.f32 v12;
	v12 =	vld.idx.msk [tilespmem:v6+s26+$0x10 ss:$0x1], $0xffff  }
0xb1: {  	[tilespmem:v9+s21+$0x0] =	vst.idx.add.f32.msk $0xffff, v11;
	v11 =	vmul.f32 v35, v61;
	vm3 =	vlt.s32 v39, $0x9;
	v54 =	vmul.f32 $1.442695020e+00, v45  }
0xb2: {  	v10 =	vnsel vm4, $0x9, v10;
	v37 =	vnsel vm5, $0x9, v37;
	v13 =	vadd.f32 $-1.000000000e+00, v52;
	v58 =	vpop (erf)  }
0xb3: {  	v52 =	vshll.u32 v10, $0x4;
	(erf) = vpow2.f32 v54;
	v48 =	vadd.f32 $1.000000000e+00, v58  }
0xb4: {  	v10 =	vxor.u32 $0x80000000, v40;
	v43 =	vsub.f32 v60, v62;
	v40 =	vsub.f32 v55, v56  }
0xb5: {  	v41 =	vxor.u32 $0x80000000, v41;
	v12 =	vsub.f32 v63, v12;
	(erf) = vrcp.f32 v48  }
0xb6: {  	v50 =	vor.u32 v2, v53;
	v59 =	vmul.f32 v51, v43;
	v13 =	vmul.f32 v13, v40  }
0xb7: {  	vm4 =	vlt.f32 v25, $1.000000000e+01;
	v44 =	vmul.f32 v44, v12;
	(erf) = vpow2.f32 v47  }
0xb8: {  	v39 =	vnsel vm3, $0x9, v39;
	v37 =	vshll.u32 v37, $0x4;
	v60 =	vmul.f32 $1.442695020e+00, v59  }
0xb9: {  	v12 =	vxor.u32 $0x80000000, v12;
	v44 =	vmul.f32 $1.442695020e+00, v44;
	(erf) = vpow2.f32 v42  }
0xba: {  	v62 =	vmax.f32 v12, $0.0e+00;
	v12 =	vmul.f32 $1.442695020e+00, v13;
	(erf) = vpow2.f32 v60  }
0xbb: {  	v41 =	vmax.f32 v41, $0.0e+00;
	v10 =	vmax.f32 v10, $0.0e+00;
	v13 =	vpop (erf);
	(erf) = vpow2.f32 v44  }
0xbc: {  	v48 =	vor.u32 v2, v14;
	v63 =	vadd.f32 $1.000000000e+00, v13;
	v13 =	vpop (erf);
	(erf) = vpow2.f32 v12  }
0xbd: {  	v10 =	vmul.f32 v15, v10;
	v15 =	vmul.f32 v18, v41;
	v18 =	vadd.f32 $1.000000000e+00, v13  }
0xbe: {  	v40 =	vxor.u32 $0x80000000, v40;
	v13 =	vmul.f32 v33, v46;
	(erf) = vrcp.f32 v63;
	v47 =	vpop (erf)  }
0xbf: {  	[tilespmem:v9+s22+$0x0] =	vst.idx.add.f32.msk vm2, v1;
	v9 =	vmax.f32 v40, $0.0e+00;
	(erf) = vrcp.f32 v18;
	v33 =	vmul.f32 $1.000000000e+01, v47  }
0xc0: {  	vm3 =	vlt.f32 v26, $1.000000000e+01;
	v39 =	vshll.u32 v39, $0x4;
	v9 =	vmul.f32 v17, v9;
	v17 =	vpop (erf)  }
0xc1: {  	v16 =	vor.u32 v2, v39;
	[tilespmem:v48+s21+$0x0] =	vst.idx.add.f32.msk $0xffff, v24;
	v51 =	vadd.f32 $1.000000000e+00, v17;
	v17 =	vtrunc.f32 v33  }
0xc2: {  	v14 =	vmul.f32 v34, v62;
	[tilespmem:v48+s22+$0x0] =	vst.idx.add.f32.msk vm0, v1;
	vm0 =	vlt.f32 v29, $1.000000000e+01;
	v54 =	vpop (erf);
	v53 =	vcvt.f32.s32 v17  }
0xc3: {  	v18 =	vor.u32 v2, v52;
	v55 =	vpop (erf);
	v56 =	vadd.f32 $1.000000000e+00, v54;
	(erf) = vrcp.f32 v51  }
0xc4: {  	v17 =	vor.u32 v2, v37;
	v57 =	vpop (erf);
	v58 =	vadd.f32 $1.000000000e+00, v55;
	vm2 =	vlt.s32 v53, $0x9  }
0xc5: {  	[tilespmem:v49+s21+$0x0] =	vst.idx.add.f32.msk $0xffff, v20;
	v28 =	vadd.f32 $1.000000000e+00, v57;
	v60 =	vpop (erf);
	(erf) = vrcp.f32 v56;
	v59 =	vnsel vm2, $0x9, v53  }
0xc6: {  	[tilespmem:v49+s22+$0x0] =	vst.idx.add.f32.msk vm1, v1;
	v20 =	vadd.f32 $1.000000000e+00, v60;
	(erf) = vrcp.f32 v58;
	v61 =	vshll.u32 v59, $0x4  }
0xc7: {  	[tilespmem:v50+s21+$0x0] =	vst.idx.add.f32.msk $0xffff, v21;
	vm5 =	vlt.f32 v33, $1.000000000e+01;
	v21 =	vpop (erf);
	(erf) = vrcp.f32 v28;
	v24 =	vor.u32 v2, v61  }
0xc8: {  	[tilespmem:v18+s21+$0x0] =	vst.idx.add.f32.msk $0xffff, v23;
	v23 =	vxor.u32 $0x80000000, v31;
	v21 =	vmul.f32 $1.000000000e+01, v21;
	(erf) = vrcp.f32 v20;
	v62 =	vpop (erf)  }
0xc9: {  	v43 =	vxor.u32 $0x80000000, v43;
	[tilespmem:v17+s21+$0x0] =	vst.idx.add.f32.msk $0xffff, v22;
	v22 =	vmax.f32 v23, $0.0e+00;
	v20 =	vmul.f32 $1.000000000e+01, v62  }
0xca: {  	v43 =	vmax.f32 v43, $0.0e+00;
	[tilespmem:v16+s21+$0x0] =	vst.idx.add.f32.msk $0xffff, v19;
	v23 =	vtrunc.f32 v21;
	v63 =	vmul.f32 v30, v22  }
0xcb: {  	[tilespmem:v50+s22+$0x0] =	vst.idx.add.f32.msk vm0, v1;
	vm1 =	vlt.f32 v21, $1.000000000e+01;
	v22 =	vcvt.f32.s32 v23;
	v21 =	vtrunc.f32 v20  }
0xcc: {  	s30 =	simm.s32 $0x0;
	s31 =	simm.s32 $0x8;
	s28 =	sadd.s32 $0x5D80, s29;
	v12 =	vmul.f32 v36, v43;
	vm2 =	vlt.f32 v27, $1.000000000e+01;
	v23 =	vcvt.f32.s32 v21;
	v19 =	vpop (erf);
	[tilespmem:v24+s21+$0x0] =	vst.idx.add.f32.msk $0xffff, v63  }
0xcd: {  	s3 =	simm.s32 $0x400;
	s26 =	sadd.s32 $0x1F00, s29;
	s29 =	sadd.s32 $0x9C00, s29;
	vm0 =	vlt.f32 v20, $1.000000000e+01;
	vm6 =	vlt.s32 v22, $0x9;
	v19 =	vmul.f32 $1.000000000e+01, v19;
	[tilespmem:v24+s22+$0x0] =	vst.idx.add.f32.msk vm5, v1  }
.LBB2_11:
0xce: {  	s0 =	sshra.s32 s3, $0x2;
	v26 =	vnsel vm6, $0x9, v22;
	vm5 =	vlt.s32 v23, $0x9;
	v21 =	vpop (erf)  }
0xcf: {  	s31 =	sadd.s32 $0x8, s31;
	v25 =	vld.idx.msk [tilespmem:v3+s0+$0x30 ss:$0x1], $0xffff;
	v23 =	vnsel vm5, $0x9, v23;
	v22 =	vtrunc.f32 v19;
	v24 =	vmul.f32 $1.000000000e+01, v21;
	v21 =	vpop (erf)  }
0xd0: {  	p1 =	slt.u32 s31, $0x1E8;
	v27 =	vshll.u32 v26, $0x4;
	v29 =	vld.idx.msk [tilespmem:v4+s0+$0x0 ss:$0x1], $0xffff;
	v28 =	vcvt.f32.s32 v22;
	v22 =	vmul.f32 $1.000000000e+01, v21;
	v20 =	vpop (erf)  }
0xd1: {  	v26 =	vshll.u32 v23, $0x4;
	v30 =	vld.idx.msk [tilespmem:v3+s0+$0xFFFFFFD0 ss:$0x1], $0xffff;
	v23 =	vtrunc.f32 v24;
	v20 =	vmul.f32 $1.000000000e+01, v20;
	v21 =	vpop (erf)  }
0xd2: {  	v31 =	vld.idx.msk [tilespmem:v5+s0+$0x30 ss:$0x1], $0xffff;
	vm5 =	vlt.s32 v28, $0x9;
	v32 =	vtrunc.f32 v22;
	v21 =	vmul.f32 $1.000000000e+01, v21  }
0xd3: {  	v34 =	vcvt.f32.s32 v23;
	v33 =	vld.idx.msk [tilespmem:v6+s0+$0x30 ss:$0x1], $0xffff;
	v28 =	vnsel vm5, $0x9, v28;
	v35 =	vtrunc.f32 v20  }
0xd4: {  	v32 =	vcvt.f32.s32 v32;
	v36 =	vld.idx.msk [tilespmem:v3+s0+$0xFFFFFFE0 ss:$0x1], $0xffff;
	v28 =	vshll.u32 v28, $0x4;
	v37 =	vtrunc.f32 v21  }
0xd5: {  	v23 =	vcvt.s32.f32 v25;
	vm5 =	vlt.s32 v34, $0x9;
	v35 =	vcvt.f32.s32 v35;
	v38 =	vld.idx.msk [tilespmem:v3+s0+$0xFFFFFFF0 ss:$0x1], $0xffff  }
0xd6: {  	v29 =	vcvt.s32.f32 v29;
	vm6 =	vlt.s32 v32, $0x9;
	v37 =	vcvt.f32.s32 v37;
	v39 =	vld.idx.msk [tilespmem:v3+s0+$0x0 ss:$0x1], $0xffff  }
0xd7: {  	v30 =	vcvt.s32.f32 v30;
	v41 =	vadd.f32 v23, v23;
	vm7 =	vlt.s32 v35, $0x9;
	v40 =	vld.idx.msk [tilespmem:v3+s0+$0x10 ss:$0x1], $0xffff  }
0xd8: {  	v34 =	vnsel vm5, $0x9, v34;
	v42 =	vadd.f32 v29, v29;
	vm5 =	vlt.s32 v37, $0x9;
	v43 =	vld.idx.msk [tilespmem:v3+s0+$0x20 ss:$0x1], $0xffff  }
0xd9: {  	v32 =	vnsel vm6, $0x9, v32;
	v25 =	vsub.f32 v31, v33;
	v31 =	vadd.f32 $-1.000000000e+00, v41;
	v44 =	vld.idx.msk [tilespmem:v7+s0+$0x0 ss:$0x1], $0xffff  }
0xda: {  	v41 =	vadd.f32 $-1.000000000e+00, v42;
	v42 =	vadd.f32 v30, v30;
	v36 =	vcvt.s32.f32 v36;
	v33 =	vld.idx.msk [tilespmem:v8+s0+$0x0 ss:$0x1], $0xffff  }
0xdb: {  	v35 =	vnsel vm7, $0x9, v35;
	v38 =	vcvt.s32.f32 v38;
	v31 =	vmul.f32 v31, v25;
	v45 =	vld.idx.msk [tilespmem:v5+s0+$0xFFFFFFD0 ss:$0x1], $0xffff  }
0xdc: {  	v42 =	vadd.f32 $-1.000000000e+00, v42;
	v47 =	vadd.f32 v36, v36;
	v39 =	vcvt.s32.f32 v39;
	v46 =	vld.idx.msk [tilespmem:v6+s0+$0xFFFFFFD0 ss:$0x1], $0xffff  }
0xdd: {  	v49 =	vadd.f32 v38, v38;
	v40 =	vcvt.s32.f32 v40;
	v31 =	vmul.f32 $1.442695020e+00, v31;
	v48 =	vld.idx.msk [tilespmem:v5+s0+$0xFFFFFFE0 ss:$0x1], $0xffff  }
0xde: {  	v47 =	vadd.f32 $-1.000000000e+00, v47;
	v51 =	vadd.f32 v39, v39;
	v43 =	vcvt.s32.f32 v43;
	v50 =	vld.idx.msk [tilespmem:v6+s0+$0xFFFFFFE0 ss:$0x1], $0xffff  }
0xdf: {  	v49 =	vadd.f32 $-1.000000000e+00, v49;
	v53 =	vadd.f32 v40, v40;
	v52 =	vld.idx.msk [tilespmem:v5+s0+$0xFFFFFFF0 ss:$0x1], $0xffff;
	(erf) = vpow2.f32 v31  }
0xe0: {  	v37 =	vnsel vm5, $0x9, v37;
	v51 =	vadd.f32 $-1.000000000e+00, v51;
	v54 =	vadd.f32 v43, v43;
	v31 =	vld.idx.msk [tilespmem:v6+s0+$0xFFFFFFF0 ss:$0x1], $0xffff  }
0xe1: {  	v34 =	vshll.u32 v34, $0x4;
	v33 =	vsub.f32 v44, v33;
	v53 =	vadd.f32 $-1.000000000e+00, v53;
	v44 =	vld.idx.msk [tilespmem:v5+s0+$0x0 ss:$0x1], $0xffff  }
0xe2: {  	v32 =	vshll.u32 v32, $0x4;
	v45 =	vsub.f32 v45, v46;
	v54 =	vadd.f32 $-1.000000000e+00, v54;
	v46 =	vld.idx.msk [tilespmem:v6+s0+$0x0 ss:$0x1], $0xffff  }
0xe3: {  	v35 =	vshll.u32 v35, $0x4;
	v55 =	vxor.u32 $0x80000000, v33;
	v33 =	vmul.f32 v41, v33;
	v41 =	vld.idx.msk [tilespmem:v5+s0+$0x10 ss:$0x1], $0xffff  }
0xe4: {  	v56 =	vxor.u32 $0x80000000, v45;
	v42 =	vmul.f32 v42, v45;
	v45 =	vsub.f32 v48, v50;
	v48 =	vld.idx.msk [tilespmem:v6+s0+$0x10 ss:$0x1], $0xffff  }
0xe5: {  	v50 =	vmax.f32 v55, $0.0e+00;
	v33 =	vmul.f32 $1.442695020e+00, v33;
	v55 =	vmax.f32 v56, $0.0e+00;
	v56 =	vld.idx.msk [tilespmem:v5+s0+$0x20 ss:$0x1], $0xffff  }
0xe6: {  	v42 =	vmul.f32 $1.442695020e+00, v42;
	v47 =	vmul.f32 v47, v45;
	v31 =	vsub.f32 v52, v31;
	v52 =	vld.idx.msk [tilespmem:v6+s0+$0x20 ss:$0x1], $0xffff  }
0xe7: {  	v45 =	vxor.u32 $0x80000000, v45;
	(erf) = vpow2.f32 v33;
	v33 =	vshll.u32 v37, $0x4;
	[tilespmem:v18+s22+$0x0] =	vst.idx.add.f32.msk vm2, v1  }
0xe8: {  	v18 =	vmul.f32 $1.442695020e+00, v47;
	v37 =	vmul.f32 v49, v31;
	v44 =	vsub.f32 v44, v46;
	v46 =	vpop (erf);
	[tilespmem:v17+s22+$0x0] =	vst.idx.add.f32.msk vm4, v1  }
0xe9: {  	v17 =	vxor.u32 $0x80000000, v31;
	v31 =	vadd.f32 $1.000000000e+00, v46;
	(erf) = vpow2.f32 v42;
	[tilespmem:v16+s22+$0x0] =	vst.idx.add.f32.msk vm3, v1  }
0xea: {  	v16 =	vmul.f32 $1.442695020e+00, v37;
	v37 =	vmul.f32 v51, v44;
	v41 =	vsub.f32 v41, v48  }
0xeb: {  	v42 =	vmax.f32 v45, $0.0e+00;
	v44 =	vxor.u32 $0x80000000, v44;
	(erf) = vrcp.f32 v31  }
0xec: {  	v31 =	vmul.f32 $1.442695020e+00, v37;
	v37 =	vmul.f32 v53, v41;
	v45 =	vsub.f32 v56, v52  }
0xed: {  	v17 =	vmax.f32 v17, $0.0e+00;
	v41 =	vxor.u32 $0x80000000, v41;
	(erf) = vpow2.f32 v18  }
0xee: {  	v18 =	vmul.f32 $1.442695020e+00, v37;
	v37 =	vxor.u32 $0x80000000, v45;
	v46 =	vmul.f32 v54, v45  }
0xef: {  	v44 =	vmax.f32 v44, $0.0e+00;
	v41 =	vmax.f32 v41, $0.0e+00;
	(erf) = vpow2.f32 v16  }
0xf0: {  	v16 =	vmax.f32 v37, $0.0e+00;
	v37 =	vmul.f32 $1.442695020e+00, v46;
	v45 =	vpop (erf);
	(erf) = vpow2.f32 v31  }
0xf1: {  	v29 =	vmul.f32 v29, v50;
	v31 =	vadd.f32 $1.000000000e+00, v45;
	(erf) = vpow2.f32 v18  }
0xf2: {  	v27 =	vor.u32 v2, v27;
	v30 =	vmul.f32 v30, v55;
	v18 =	vpop (erf);
	(erf) = vpow2.f32 v37  }
0xf3: {  	v36 =	vmul.f32 v36, v42;
	v18 =	vadd.f32 $1.000000000e+00, v18;
	(erf) = vrcp.f32 v31  }
0xf4: {  	v26 =	vor.u32 v2, v26;
	v37 =	vmul.f32 v39, v44;
	v31 =	vmul.f32 v38, v17;
	v17 =	vpop (erf)  }
0xf5: {  	v28 =	vor.u32 v2, v28;
	v38 =	vmul.f32 $1.000000000e+01, v17;
	(erf) = vrcp.f32 v18  }
0xf6: {  	v34 =	vor.u32 v2, v34;
	v39 =	vmul.f32 v40, v41;
	v40 =	vmul.f32 v43, v16;
	v16 =	vpop (erf)  }
0xf7: {  	v18 =	vor.u32 v2, v32;
	v41 =	vadd.f32 $1.000000000e+00, v16;
	v16 =	vtrunc.f32 v38;
	[tilespmem:v27+s21+$0x0] =	vst.idx.add.f32.msk $0xffff, v10;
	v10 =	vmovc v29  }
0xf8: {  	v17 =	vor.u32 v2, v35;
	v29 =	vcvt.f32.s32 v16;
	v32 =	vpop (erf);
	[tilespmem:v27+s22+$0x0] =	vst.idx.add.f32.msk vm1, v1;
	v16 =	vor.u32 v2, v33  }
0xf9: {  	vm1 =	vlt.f32 v19, $1.000000000e+01;
	v27 =	vadd.f32 $1.000000000e+00, v32;
	(erf) = vrcp.f32 v41;
	v32 =	vpop (erf);
	[tilespmem:v26+s21+$0x0] =	vst.idx.add.f32.msk $0xffff, v15  }
0xfa: {  	v32 =	vadd.f32 $1.000000000e+00, v32;
	vm2 =	vlt.s32 v29, $0x9;
	v19 =	vpop (erf);
	[tilespmem:v26+s22+$0x0] =	vst.idx.add.f32.msk vm0, v1;
	vm0 =	vlt.f32 v24, $1.000000000e+01  }
0xfb: {  	v33 =	vadd.f32 $1.000000000e+00, v19;
	v24 =	vnsel vm2, $0x9, v29;
	(erf) = vrcp.f32 v27;
	v26 =	vpop (erf);
	[tilespmem:v28+s21+$0x0] =	vst.idx.add.f32.msk $0xffff, v13  }
0xfc: {  	v27 =	vadd.f32 $1.000000000e+00, v26;
	v24 =	vshll.u32 v24, $0x4;
	v26 =	vpop (erf);
	(erf) = vrcp.f32 v32;
	[tilespmem:v34+s21+$0x0] =	vst.idx.add.f32.msk $0xffff, v11  }
0xfd: {  	vm5 =	vlt.f32 v38, $1.000000000e+01;
	v15 =	vmovc v30;
	v24 =	vor.u32 v2, v24;
	(erf) = vrcp.f32 v33;
	[tilespmem:v18+s21+$0x0] =	vst.idx.add.f32.msk $0xffff, v12  }
0xfe: {  	v25 =	vxor.u32 $0x80000000, v25;
	v26 =	vmul.f32 $1.000000000e+01, v26;
	v19 =	vpop (erf);
	(erf) = vrcp.f32 v27;
	[tilespmem:v17+s21+$0x0] =	vst.idx.add.f32.msk $0xffff, v14  }
.Ltmp6:
0xff: {  	vm2 =	vlt.f32 v22, $1.000000000e+01;
	v13 =	vmovc v36;
	v11 =	vmovc v31;
	v27 =	vmul.f32 $1.000000000e+01, v19;
	v19 =	vmax.f32 v25, $0.0e+00;
	[tilespmem:v28+s22+$0x0] =	vst.idx.add.f32.msk vm1, v1;
	(pc) =	sbr.rel @p1 .LBB2_11-.Ltmp6, $4  }
0x100: {  	v12 =	vmovc v37;
	v22 =	vtrunc.f32 v26;
	vm1 =	vlt.f32 v26, $1.000000000e+01;
	v25 =	vmul.f32 v23, v19;
	[tilespmem:v34+s22+$0x0] =	vst.idx.add.f32.msk vm0, v1  }
0x101: {  	v14 =	vmovc v39;
	v22 =	vcvt.f32.s32 v22;
	v23 =	vtrunc.f32 v27;
	vm0 =	vlt.f32 v27, $1.000000000e+01;
	[tilespmem:v16+s21+$0x0] =	vst.idx.add.f32.msk $0xffff, v9;
	v9 =	vmovc v40  }
0x102: {  	vm4 =	vlt.f32 v20, $1.000000000e+01;
	vm3 =	vlt.f32 v21, $1.000000000e+01;
	v23 =	vcvt.f32.s32 v23;
	[tilespmem:v24+s21+$0x0] =	vst.idx.add.f32.msk $0xffff, v25;
	v19 =	vpop (erf)  }
0x103: {  	s3 =	sadd.s32 $0x200, s3;
	vm6 =	vlt.s32 v22, $0x9;
	v19 =	vmul.f32 $1.000000000e+01, v19;
	[tilespmem:v24+s22+$0x0] =	vst.idx.add.f32.msk vm5, v1  }
0x104: {  	v3 =	vnsel vm6, $0x9, v22;
	v4 =	vpop (erf)  }
0x105: {  	vm5 =	vlt.s32 v23, $0x9;
	v5 =	vtrunc.f32 v19;
	v4 =	vmul.f32 $1.000000000e+01, v4  }
0x106: {  	v6 =	vpop (erf);
	v7 =	vnsel vm5, $0x9, v23;
	v3 =	vshll.u32 v3, $0x4;
	vm11 =	vlt.f32 v19, $1.000000000e+01  }
0x107: {  	v5 =	vcvt.f32.s32 v5;
	v6 =	vmul.f32 $1.000000000e+01, v6;
	v8 =	vpop (erf);
	v7 =	vshll.u32 v7, $0x4  }
0x108: {  	v3 =	vor.u32 v2, v3;
	v20 =	vtrunc.f32 v4;
	v8 =	vmul.f32 $1.000000000e+01, v8  }
0x109: {  	v21 =	vpop (erf);
	v7 =	vor.u32 v2, v7;
	vm13 =	vlt.s32 v5, $0x9;
	v55 =	vtrunc.f32 v6  }
0x10a: {  	v21 =	vmul.f32 $1.000000000e+01, v21;
	v20 =	vcvt.f32.s32 v20;
	v5 =	vnsel vm13, $0x9, v5  }
0x10b: {  	[tilespmem:v18+s22+$0x0] =	vst.idx.add.f32.msk vm2, v1;
	v56 =	vtrunc.f32 v8;
	v22 =	vcvt.f32.s32 v55;
	v5 =	vshll.u32 v5, $0x4  }
0x10c: {  	[tilespmem:v17+s22+$0x0] =	vst.idx.add.f32.msk vm4, v1;
	v24 =	vtrunc.f32 v21;
	v23 =	vcvt.f32.s32 v56;
	vm14 =	vlt.s32 v20, $0x9  }
0x10d: {  	[tilespmem:v16+s22+$0x0] =	vst.idx.add.f32.msk vm3, v1;
	vm15 =	vlt.s32 v22, $0x9;
	v20 =	vnsel vm14, $0x9, v20;
	v5 =	vor.u32 v2, v5  }
0x10e: {  	v57 =	vcvt.f32.s32 v24;
	[tilespmem:v3+s21+$0x0] =	vst.idx.add.f32.msk $0xffff, v10;
	v58 =	vnsel vm15, $0x9, v22;
	v20 =	vshll.u32 v20, $0x4  }
0x10f: {  	vm9 =	vlt.s32 v23, $0x9;
	[tilespmem:v3+s22+$0x0] =	vst.idx.add.f32.msk vm1, v1;
	v17 =	vshll.u32 v58, $0x4;
	v20 =	vor.u32 v2, v20  }
0x110: {  	vm12 =	vlt.f32 v4, $1.000000000e+01;
	[tilespmem:v7+s21+$0x0] =	vst.idx.add.f32.msk $0xffff, v15;
	v59 =	vnsel vm9, $0x9, v23;
	v61 =	vor.u32 v2, v17  }
0x111: {  	vm10 =	vlt.s32 v57, $0x9;
	[tilespmem:v7+s22+$0x0] =	vst.idx.add.f32.msk vm0, v1;
	v60 =	vshll.u32 v59, $0x4  }
0x112: {  	vm13 =	vlt.f32 v6, $1.000000000e+01;
	v62 =	vnsel vm10, $0x9, v57;
	v3 =	vor.u32 v2, v60;
	[tilespmem:v5+s21+$0x0] =	vst.idx.add.f32.msk $0xffff, v13  }
0x113: {  	v63 =	vshll.u32 v62, $0x4;
	[tilespmem:v5+s22+$0x0] =	vst.idx.add.f32.msk vm11, v1  }
0x114: {  	vm14 =	vlt.f32 v8, $1.000000000e+01;
	v4 =	vor.u32 v2, v63;
	[tilespmem:v20+s21+$0x0] =	vst.idx.add.f32.msk $0xffff, v11  }
0x115: {  	vm15 =	vlt.f32 v21, $1.000000000e+01;
	[tilespmem:v61+s21+$0x0] =	vst.idx.add.f32.msk $0xffff, v12  }
0x116: {  	[tilespmem:v20+s22+$0x0] =	vst.idx.add.f32.msk vm12, v1  }
0x117: {  	[tilespmem:v3+s21+$0x0] =	vst.idx.add.f32.msk $0xffff, v14  }
0x118: {  	[tilespmem:v61+s22+$0x0] =	vst.idx.add.f32.msk vm13, v1  }
0x119: {  	[tilespmem:v4+s21+$0x0] =	vst.idx.add.f32.msk $0xffff, v9  }
0x11a: {  	[tilespmem:v3+s22+$0x0] =	vst.idx.add.f32.msk vm14, v1  }
0x11b: {  	[tilespmem:v4+s22+$0x0] =	vst.idx.add.f32.msk vm15, v1  }
.LBB2_13:
0x11c: {  	s0 =	sshra.s32 s30, $0x2  }
0x11d: {  	s3 =	sadd.s32 s0, s29  }
0x11e: {  	v3 =	vld [tilespmem:s3+$0x0];
	_ =	sdelay $0x1  }
0x11f: {  	s31 =	sadd.s32 s0, s26  }
0x120: {  	s0 =	sadd.s32 s0, s28;
	v4 =	vld [tilespmem:s31+$0x0]  }
0x121: {  	v5 =	vld [tilespmem:s0+$0x0]  }
0x122: {  	v3 =	vcvt.s32.f32 v3;
	_ =	sdelay $0x1  }
0x123: {  	v6 =	vadd.f32 v3, v3;
	_ =	sdelay $0x1  }
0x124: {  	v4 =	vsub.f32 v4, v5;
	v61 =	vadd.f32 $-1.000000000e+00, v6;
	_ =	sdelay $0x1  }
0x125: {  	v5 =	vmul.f32 v61, v4;
	_ =	sdelay $0x1  }
0x126: {  	v5 =	vmul.f32 $1.442695020e+00, v5;
	_ =	sdelay $0x1  }
0x127: {  	(erf) = vpow2.f32 v5;
	_ =	sdelay $0x8  }
0x128: {  	v5 =	vpop (erf)  }
0x129: {  	v5 =	vadd.f32 $1.000000000e+00, v5;
	_ =	sdelay $0x1  }
0x12a: {  	(erf) = vrcp.f32 v5;
	_ =	sdelay $0x8  }
0x12b: {  	v5 =	vpop (erf)  }
0x12c: {  	v5 =	vmul.f32 $1.000000000e+01, v5;
	_ =	sdelay $0x1  }
0x12d: {  	v62 =	vtrunc.f32 v5  }
0x12e: {  	v6 =	vcvt.f32.s32 v62;
	_ =	sdelay $0x1  }
0x12f: {  	vm0 =	vlt.s32 v6, $0x9  }
0x130: {  	v6 =	vnsel vm0, $0x9, v6  }
0x131: {  	v6 =	vshll.u32 v6, $0x4  }
0x132: {  	vm15 =	vlt.f32 v5, $1.000000000e+01;
	v63 =	vor.u32 v2, v6  }
0x133: {  	p1 =	seq.s32 s30, $0xC0;
	v4 =	vxor.u32 $0x80000000, v4  }
.Ltmp7:
0x134: {  	v4 =	vmax.f32 v4, $0.0e+00;
	(pc) =	sbr.rel @!p1 .LBB2_13-.Ltmp7, $3  }
0x135: {  	v3 =	vmul.f32 v3, v4;
	_ =	sdelay $0x1  }
0x136: {  	[tilespmem:v63+s21+$0x0] =	vst.idx.add.f32.msk $0xffff, v3  }
0x137: {  	s30 =	sadd.s32 $0x40, s30;
	[tilespmem:v63+s22+$0x0] =	vst.idx.add.f32.msk vm15, v1  }
0x138: {  	p1 =	seq.s32 s25, s7  }
.Ltmp8:
0x139: {  	_ = 	snop;
	(pc) =	sbr.rel @!p1 .LBB2_3-.Ltmp8, $2  }
0x13a: {  	_ =	sdelay $0x2  }
0x13b: {  	p0 =	por !p0, !p0;
	s3 =	smov.u32 s25  }
0x13c: {  	[hbm4b:s11+s5] =	stream.linear.scatter [tilespmem:s22], [sflag:$0x3], $0xA0, $0x38;
	[tilespmem:$0xBD80] =	vst v63  }
0x13d: {  	s24 =	sadd.s32 $0x1, s24;
	_ =	swait.ge [sflag:s23], $0xA0  }
0x13e: {  	p0 =	sne.s32 s24, s13;
	[sflag:s23] =	ssyncset.done $0x0  }
.Ltmp9:
0x13f: {  	[sflag:s23] =	ssyncadd.s32 $0xFFFFFF60;
	(pc) =	sbr.rel @p0 .LBB2_1-.Ltmp9, $4  }
0x140: {  	[hbm4b:s12+s5] =	stream.linear.scatter [tilespmem:s21], [sflag:$0x3], $0xA0, $0x38;
	[tilespmem:$0xBD80] =	vst v63  }
0x141: {  	_ =	swait.ge [sflag:s23], $0xA0  }
0x142: {  	[sflag:s23] =	ssyncset.done $0x0  }
0x143: {  	[sflag:s23] =	ssyncadd.s32 $0xFFFFFF60  }
0x144: {  	_ =	sfence.sel $0x180000  }
0x145: {  	[bflag:$0x0] =	sbarrier.arrive $0xFFFF  }
0x146: {  	_ =	strace $0x90000047  }
0x147: {  	s0 =	stileid.u32;
	[bflag:$0x2] =	sbarrier.arrive $0xFFFF  }
0x148: {  	p0 =	sne.s32 s0, $0x0;
	s0 =	rddreg [dreg:$0x4]  }
0x149: {  	s0 =	sadd.s32 @!p0 $0x100000, s0  }
0x14a: {  	[sflag:s0] =	ssyncadd.tile.s32 @!p0 $0x1;
	_ =	shalt  }
.Lfunc_end2:
_tile_overlayer_lowered:
.L_overlay_start_2:
0x14b: {  	(tag) =	ssettag $0x2  }
0x14c: {  	s0 =	rddreg [dreg:$0x0];
	s2 =	stileid.u32  }
0x14d: {  	s1 =	rddreg [dreg:$0x1];
	p0 =	sne.s32 s2, $0x0  }
0x14e: {  	s3 =	rddreg [dreg:$0x2];
	[bflag:$0x3] =	sbarrier.arrive $0xFFFF;
	s2 =	simm.s32 @!p0 $0x1C03  }
0x14f: {  	[timem:s3], [sflag:s2] =	dma.local @!p0 [hbm:s0], s1  }
0x150: {  	s0 =	simm.s32 @!p0 $0x3  }
0x151: {  	_ =	swait.ge @!p0 [sflag:s0], s1  }
0x152: {  	s1 =	ssub.s32 @!p0 $0x0, s1;
	[sflag:s0] =	ssyncset.done @!p0 $0x0  }
0x153: {  	[sflag:s0] =	ssyncadd.s32 @!p0 s1  }
0x154: {  	[bflag:$0x3] =	sbarrier.arrive $0xFFFF  }
0x155: {  	_ =	shalt  }

</sc_bundles>
